<compile_context>
chip_gen: v7x
topology: tpu7x:2x2x1
jax: 0.10.2.dev20260603
libtpu: 0.0.44.dev20260713+nightly
codegen_flags: <defaults>
</compile_context>

<pallas_src>
import functools

import jax
import jax.numpy as jnp
from jax import lax
from jax.experimental import pallas as pl
from jax.experimental.pallas import tpu as pltpu
from jax.experimental.pallas import tpu_sc as plsc

_VOCAB = 50000
_TOTAL = 50512
_N = 4096
_EPS = 1e-20
_IGNORE = -100
_LN2 = 0.6931471805599453

_NC, _NS = 2, 16
_NW = _NC * _NS
_C = _N // _NW
_L = 16

_mesh = plsc.VectorSubcoreMesh(core_axis_name="c", subcore_axis_name="s")


def _neg_log(p):
    bits = plsc.bitcast(p, jnp.int32)
    e = (bits >> 23) - 127
    m = plsc.bitcast((bits & 0x007FFFFF) | 0x3F800000, jnp.float32)
    s = (m - 1.0) / (m + 1.0)
    s2 = s * s
    poly = 1.0 + s2 * (1.0 / 3.0 + s2 * (1.0 / 5.0 + s2 * (1.0 / 7.0 + s2 * (1.0 / 9.0))))
    return -(e.astype(jnp.float32) * _LN2 + 2.0 * s * poly)


@functools.partial(
    pl.kernel,
    mesh=_mesh,
    compiler_params=pltpu.CompilerParams(needs_layout_passes=False),
    out_type=jax.ShapeDtypeStruct((_N,), jnp.float32),
    scratch_types=[
        pltpu.VMEM((_C,), jnp.int32),
        pltpu.VMEM((_C,), jnp.int32),
        pltpu.VMEM((_C,), jnp.int32),
        pltpu.VMEM((_C, _C), jnp.float32),
        pltpu.VMEM((_C, _C), jnp.float32),
        pltpu.VMEM((_C,), jnp.float32),
        pltpu.SemaphoreType.DMA,
        pltpu.SemaphoreType.DMA,
        pltpu.SemaphoreType.DMA,
        pltpu.SemaphoreType.DMA,
    ],
)
def _loss_kernel(scores_t_hbm, align_hbm, target_hbm, out_hbm,
                 tgt_v, aln_v, ci_v, ch_t, ch_c, o_v, sem, sem2, sem3, sem4):
    wid = lax.axis_index("s") * _NC + lax.axis_index("c")
    base = pl.multiple_of(wid * _C, _C)
    _H = _C // 2
    pltpu.sync_copy(target_hbm.at[pl.ds(base, _C)], tgt_v)
    g1 = pltpu.async_copy(
        scores_t_hbm.at[tgt_v.at[pl.ds(0, _H)], pl.ds(base, _C)],
        ch_t.at[pl.ds(0, _H)], sem)
    g3 = pltpu.async_copy(
        scores_t_hbm.at[tgt_v.at[pl.ds(_H, _H)], pl.ds(base, _C)],
        ch_t.at[pl.ds(_H, _H)], sem3)
    pltpu.sync_copy(align_hbm.at[pl.ds(base, _C)], aln_v)
    for j in range(_C // _L):
        sl = pl.ds(j * _L, _L)
        ci_v[sl] = aln_v[sl] + _VOCAB
    g2 = pltpu.async_copy(
        scores_t_hbm.at[ci_v.at[pl.ds(0, _H)], pl.ds(base, _C)],
        ch_c.at[pl.ds(0, _H)], sem2)
    g4 = pltpu.async_copy(
        scores_t_hbm.at[ci_v.at[pl.ds(_H, _H)], pl.ds(base, _C)],
        ch_c.at[pl.ds(_H, _H)], sem4)
    g1.wait()
    g2.wait()
    g3.wait()
    g4.wait()
    for j in range(_C // _L):
        sl = pl.ds(j * _L, _L)
        r = lax.iota(jnp.int32, _L) + j * _L
        t = tgt_v[sl]
        a = aln_v[sl]
        v = plsc.load_gather(ch_t, [r, r])
        c = plsc.load_gather(ch_c, [r, r])
        c = jnp.where(a == 0, 0.0, c) + _EPS
        non_copy = (a == 0) | (t != 0)
        probs = jnp.where(non_copy, c + v, c)
        loss = _neg_log(probs)
        o_v[sl] = jnp.where(t == _IGNORE, 0.0, loss)
    pltpu.sync_copy(o_v, out_hbm.at[pl.ds(base, _C)])


def kernel(scores, align, target):
    return _loss_kernel(scores.T, align, target)

# --- scband reference (transcript-rebuilt; emitter-appended) ---
"""Pipeline reference for scband-copy-generator-loss-2929167695987 (READ-ONLY COPY).

The authoritative reference and input builder live on the scoring server;
editing this copy changes nothing except your own understanding.
"""

import jax, jax.numpy as jnp
import numpy as np

VOCAB_SIZE = 50000
EXTRA = 512
N = 4096
FORCE_COPY = False
UNK_INDEX = 0
IGNORE_INDEX = -100
EPS = 1e-20


def setup_inputs(seed: int = 0) -> dict:
    key = jax.random.key(seed)
    k1, k2, k3 = jax.random.split(key, 3)
    scores = jax.random.uniform(k1, (N, VOCAB_SIZE + EXTRA), dtype=jnp.float32)
    align = jax.random.randint(k2, (N,), 0, EXTRA, dtype=jnp.int64) if jax.config.jax_enable_x64 else jax.random.randint(k2, (N,), 0, EXTRA).astype(jnp.int32)
    target = jax.random.randint(k3, (N,), 0, VOCAB_SIZE + EXTRA).astype(jnp.int32)
    align = align.astype(jnp.int32)
    return {"scores": scores, "align": align, "target": target}


def reference(scores, align, target):
    # vocab_probs = scores.gather(1, target)
    vocab_probs = jnp.take_along_axis(scores, target[:, None], axis=1)[:, 0]
    # copy_ix = align + vocab_size; copy_tok_probs = scores.gather(1, copy_ix)
    copy_ix = align + VOCAB_SIZE
    copy_tok_probs = jnp.take_along_axis(scores, copy_ix[:, None], axis=1)[:, 0]
    # copy_tok_probs[align == unk_index] = 0
    copy_tok_probs = jnp.where(align == UNK_INDEX, 0.0, copy_tok_probs)
    # copy_tok_probs += eps
    copy_tok_probs = copy_tok_probs + EPS
    non_copy = align == UNK_INDEX
    if not FORCE_COPY:
        non_copy = non_copy | (target != UNK_INDEX)
    probs = jnp.where(non_copy, copy_tok_probs + vocab_probs, copy_tok_probs)
    loss = -jnp.log(probs)
    # loss[target == ignore_index] = 0
    loss = jnp.where(target == IGNORE_INDEX, 0.0, loss)
    return loss

if __name__ == "__main__":
    import jax
    _d = setup_inputs()
    print(jax.jit(kernel)(*tuple(_d.values())))

</pallas_src>

<mosaic_0001>
#map = affine_map<(d0, d1) -> (0, 0)>
#map1 = affine_map<(d0, d1) -> (0)>
module attributes {stable_mosaic.version = 14 : i64} {
  func.func @_loss_kernel(%arg0: i32, %arg1: i32, %arg2: memref<50512x4096xf32, #tpu.memory_space<hbm>>, %arg3: memref<4096xi32, #tpu.memory_space<hbm>>, %arg4: memref<4096xi32, #tpu.memory_space<hbm>>, %arg5: memref<4096xf32, #tpu.memory_space<hbm>>, %arg6: memref<128xi32, #tpu.memory_space<vmem>>, %arg7: memref<128xi32, #tpu.memory_space<vmem>>, %arg8: memref<128xi32, #tpu.memory_space<vmem>>, %arg9: memref<128x128xf32, #tpu.memory_space<vmem>>, %arg10: memref<128x128xf32, #tpu.memory_space<vmem>>, %arg11: memref<128xf32, #tpu.memory_space<vmem>>, %arg12: memref<!tpu.dma_semaphore, #tpu.memory_space<semaphore_mem>>, %arg13: memref<!tpu.dma_semaphore, #tpu.memory_space<semaphore_mem>>, %arg14: memref<!tpu.dma_semaphore, #tpu.memory_space<semaphore_mem>>, %arg15: memref<!tpu.dma_semaphore, #tpu.memory_space<semaphore_mem>>) attributes {dimension_semantics = [#tpu.dimension_semantics<core_parallel>, #tpu.dimension_semantics<subcore_parallel>], iteration_bounds = array<i64: 2, 16>, scalar_prefetch = 0 : i64, scratch_operands = 10 : i64, tpu.core_type = #tpu.core_type<sc_vector_subcore>, window_params = [{transform_indices = #map}, {transform_indices = #map1}, {transform_indices = #map1}, {transform_indices = #map1}]} {
    %mul3A = arith.constant 2 : i32
    %mul3A_0 = arith.muli %arg1, %mul3A : i32
    %add3A = arith.addi %mul3A_0, %arg0 : i32
    %mul3A_1 = arith.constant 128 : i32
    %mul3A_2 = arith.muli %add3A, %mul3A_1 : i32
    %multiple_of3A = tpu.assume_multiple %mul3A_2, 128 : i32
    "tpu.region"() ({
      %run_scoped3A = tpu.sem_alloc : memref<!tpu.dma_semaphore, #tpu.memory_space<semaphore_mem>>
      %dma_start3A_800 = tpu.memref_slice %arg4[%multiple_of3A] : memref<4096xi32, #tpu.memory_space<hbm>> -> memref<128xi32, #tpu.memory_space<hbm>>
      %dma_start3A_801 = tpu.memref_slice %arg4[%multiple_of3A] : memref<4096xi32, #tpu.memory_space<hbm>> -> memref<128xi32, #tpu.memory_space<hbm>>
      tpu.enqueue_dma source(%dma_start3A_801 : memref<128xi32, #tpu.memory_space<hbm>>) target(%arg6 : memref<128xi32, #tpu.memory_space<vmem>>) target_semaphore(%run_scoped3A : memref<!tpu.dma_semaphore, #tpu.memory_space<semaphore_mem>>)
      %dma_wait3A_802 = tpu.memref_slice %arg4[%multiple_of3A] : memref<4096xi32, #tpu.memory_space<hbm>> -> memref<128xi32, #tpu.memory_space<hbm>>
      %dma_wait3A_803 = tpu.memref_slice %arg4[%multiple_of3A] : memref<4096xi32, #tpu.memory_space<hbm>> -> memref<128xi32, #tpu.memory_space<hbm>>
      tpu.wait_dma2 semaphore(%run_scoped3A : memref<!tpu.dma_semaphore, #tpu.memory_space<semaphore_mem>>) src(%dma_wait3A_803 : memref<128xi32, #tpu.memory_space<hbm>>) dst(%arg6 : memref<128xi32, #tpu.memory_space<vmem>>)
      tpu.yield
    }) : () -> ()
    %dma_start3A = arith.constant 0 : i32
    %dma_start3A_3 = arith.constant 0 : i32
    %dma_start3A_4 = tpu.memref_slice %arg9[%dma_start3A, %dma_start3A_3] : memref<128x128xf32, #tpu.memory_space<vmem>> -> memref<64x128xf32, #tpu.memory_space<vmem>>
    %dma_start3A_5 = arith.constant 0 : i32
    %dma_start3A_6 = tpu.memref_slice %arg6[%dma_start3A_5] : memref<128xi32, #tpu.memory_space<vmem>> -> memref<64xi32, #tpu.memory_space<vmem>>
    %dma_start3A_7 = arith.constant 0 : i32
    %dma_start3A_8 = tpu.memref_slice %arg2[%dma_start3A_7, %multiple_of3A] : memref<50512x4096xf32, #tpu.memory_space<hbm>> -> memref<50512x128xf32, #tpu.memory_space<hbm>>
    tpu.enqueue_indirect_dma source(%dma_start3A_8 : memref<50512x128xf32, #tpu.memory_space<hbm>>) target(%dma_start3A_4 : memref<64x128xf32, #tpu.memory_space<vmem>>) offsets(%dma_start3A_6 : memref<64xi32, #tpu.memory_space<vmem>>) semaphore(%arg12 : memref<!tpu.dma_semaphore, #tpu.memory_space<semaphore_mem>>)
    %dma_start3A_9 = arith.constant 64 : i32
    %dma_start3A_10 = arith.constant 0 : i32
    %dma_start3A_11 = tpu.memref_slice %arg9[%dma_start3A_9, %dma_start3A_10] : memref<128x128xf32, #tpu.memory_space<vmem>> -> memref<64x128xf32, #tpu.memory_space<vmem>>
    %dma_start3A_12 = arith.constant 64 : i32
    %dma_start3A_13 = tpu.memref_slice %arg6[%dma_start3A_12] : memref<128xi32, #tpu.memory_space<vmem>> -> memref<64xi32, #tpu.memory_space<vmem>>
    %dma_start3A_14 = arith.constant 0 : i32
    %dma_start3A_15 = tpu.memref_slice %arg2[%dma_start3A_14, %multiple_of3A] : memref<50512x4096xf32, #tpu.memory_space<hbm>> -> memref<50512x128xf32, #tpu.memory_space<hbm>>
    tpu.enqueue_indirect_dma source(%dma_start3A_15 : memref<50512x128xf32, #tpu.memory_space<hbm>>) target(%dma_start3A_11 : memref<64x128xf32, #tpu.memory_space<vmem>>) offsets(%dma_start3A_13 : memref<64xi32, #tpu.memory_space<vmem>>) semaphore(%arg14 : memref<!tpu.dma_semaphore, #tpu.memory_space<semaphore_mem>>)
    "tpu.region"() ({
      %run_scoped3A = tpu.sem_alloc : memref<!tpu.dma_semaphore, #tpu.memory_space<semaphore_mem>>
      %dma_start3A_800 = tpu.memref_slice %arg3[%multiple_of3A] : memref<4096xi32, #tpu.memory_space<hbm>> -> memref<128xi32, #tpu.memory_space<hbm>>
      %dma_start3A_801 = tpu.memref_slice %arg3[%multiple_of3A] : memref<4096xi32, #tpu.memory_space<hbm>> -> memref<128xi32, #tpu.memory_space<hbm>>
      tpu.enqueue_dma source(%dma_start3A_801 : memref<128xi32, #tpu.memory_space<hbm>>) target(%arg7 : memref<128xi32, #tpu.memory_space<vmem>>) target_semaphore(%run_scoped3A : memref<!tpu.dma_semaphore, #tpu.memory_space<semaphore_mem>>)
      %dma_wait3A_802 = tpu.memref_slice %arg3[%multiple_of3A] : memref<4096xi32, #tpu.memory_space<hbm>> -> memref<128xi32, #tpu.memory_space<hbm>>
      %dma_wait3A_803 = tpu.memref_slice %arg3[%multiple_of3A] : memref<4096xi32, #tpu.memory_space<hbm>> -> memref<128xi32, #tpu.memory_space<hbm>>
      tpu.wait_dma2 semaphore(%run_scoped3A : memref<!tpu.dma_semaphore, #tpu.memory_space<semaphore_mem>>) src(%dma_wait3A_803 : memref<128xi32, #tpu.memory_space<hbm>>) dst(%arg7 : memref<128xi32, #tpu.memory_space<vmem>>)
      tpu.yield
    }) : () -> ()
    %get3A = arith.constant 0 : index
    %get3A_16 = tpu.vector_load %arg7[%get3A] {strides = array<i32>} : memref<128xi32, #tpu.memory_space<vmem>>, vector<16xi32>,
    %add3A_17 = arith.constant 50000 : i32
    %add3A_18 = vector.broadcast %add3A_17 : i32 to vector<16xi32>
    %add3A_19 = arith.addi %get3A_16, %add3A_18 : vector<16xi32>
    %swap3A = arith.constant 0 : index
    %swap3A_20 = tpu.vector_load %arg8[%swap3A] {strides = array<i32>} : memref<128xi32, #tpu.memory_space<vmem>>, vector<16xi32>,
    tpu.vector_store %arg8[%swap3A], %add3A_19 {strides = array<i32>} : memref<128xi32, #tpu.memory_space<vmem>>, vector<16xi32>,
    %get3A_21 = arith.constant 16 : index
    %get3A_22 = tpu.vector_load %arg7[%get3A_21] {strides = array<i32>} : memref<128xi32, #tpu.memory_space<vmem>>, vector<16xi32>,
    %add3A_23 = arith.constant 50000 : i32
    %add3A_24 = vector.broadcast %add3A_23 : i32 to vector<16xi32>
    %add3A_25 = arith.addi %get3A_22, %add3A_24 : vector<16xi32>
    %swap3A_26 = arith.constant 16 : index
    %swap3A_27 = tpu.vector_load %arg8[%swap3A_26] {strides = array<i32>} : memref<128xi32, #tpu.memory_space<vmem>>, vector<16xi32>,
    tpu.vector_store %arg8[%swap3A_26], %add3A_25 {strides = array<i32>} : memref<128xi32, #tpu.memory_space<vmem>>, vector<16xi32>,
    %get3A_28 = arith.constant 32 : index
    %get3A_29 = tpu.vector_load %arg7[%get3A_28] {strides = array<i32>} : memref<128xi32, #tpu.memory_space<vmem>>, vector<16xi32>,
    %add3A_30 = arith.constant 50000 : i32
    %add3A_31 = vector.broadcast %add3A_30 : i32 to vector<16xi32>
    %add3A_32 = arith.addi %get3A_29, %add3A_31 : vector<16xi32>
    %swap3A_33 = arith.constant 32 : index
    %swap3A_34 = tpu.vector_load %arg8[%swap3A_33] {strides = array<i32>} : memref<128xi32, #tpu.memory_space<vmem>>, vector<16xi32>,
    tpu.vector_store %arg8[%swap3A_33], %add3A_32 {strides = array<i32>} : memref<128xi32, #tpu.memory_space<vmem>>, vector<16xi32>,
    %get3A_35 = arith.constant 48 : index
    %get3A_36 = tpu.vector_load %arg7[%get3A_35] {strides = array<i32>} : memref<128xi32, #tpu.memory_space<vmem>>, vector<16xi32>,
    %add3A_37 = arith.constant 50000 : i32
    %add3A_38 = vector.broadcast %add3A_37 : i32 to vector<16xi32>
    %add3A_39 = arith.addi %get3A_36, %add3A_38 : vector<16xi32>
    %swap3A_40 = arith.constant 48 : index
    %swap3A_41 = tpu.vector_load %arg8[%swap3A_40] {strides = array<i32>} : memref<128xi32, #tpu.memory_space<vmem>>, vector<16xi32>,
    tpu.vector_store %arg8[%swap3A_40], %add3A_39 {strides = array<i32>} : memref<128xi32, #tpu.memory_space<vmem>>, vector<16xi32>,
    %get3A_42 = arith.constant 64 : index
    %get3A_43 = tpu.vector_load %arg7[%get3A_42] {strides = array<i32>} : memref<128xi32, #tpu.memory_space<vmem>>, vector<16xi32>,
    %add3A_44 = arith.constant 50000 : i32
    %add3A_45 = vector.broadcast %add3A_44 : i32 to vector<16xi32>
    %add3A_46 = arith.addi %get3A_43, %add3A_45 : vector<16xi32>
    %swap3A_47 = arith.constant 64 : index
    %swap3A_48 = tpu.vector_load %arg8[%swap3A_47] {strides = array<i32>} : memref<128xi32, #tpu.memory_space<vmem>>, vector<16xi32>,
    tpu.vector_store %arg8[%swap3A_47], %add3A_46 {strides = array<i32>} : memref<128xi32, #tpu.memory_space<vmem>>, vector<16xi32>,
    %get3A_49 = arith.constant 80 : index
    %get3A_50 = tpu.vector_load %arg7[%get3A_49] {strides = array<i32>} : memref<128xi32, #tpu.memory_space<vmem>>, vector<16xi32>,
    %add3A_51 = arith.constant 50000 : i32
    %add3A_52 = vector.broadcast %add3A_51 : i32 to vector<16xi32>
    %add3A_53 = arith.addi %get3A_50, %add3A_52 : vector<16xi32>
    %swap3A_54 = arith.constant 80 : index
    %swap3A_55 = tpu.vector_load %arg8[%swap3A_54] {strides = array<i32>} : memref<128xi32, #tpu.memory_space<vmem>>, vector<16xi32>,
    tpu.vector_store %arg8[%swap3A_54], %add3A_53 {strides = array<i32>} : memref<128xi32, #tpu.memory_space<vmem>>, vector<16xi32>,
    %get3A_56 = arith.constant 96 : index
    %get3A_57 = tpu.vector_load %arg7[%get3A_56] {strides = array<i32>} : memref<128xi32, #tpu.memory_space<vmem>>, vector<16xi32>,
    %add3A_58 = arith.constant 50000 : i32
    %add3A_59 = vector.broadcast %add3A_58 : i32 to vector<16xi32>
    %add3A_60 = arith.addi %get3A_57, %add3A_59 : vector<16xi32>
    %swap3A_61 = arith.constant 96 : index
    %swap3A_62 = tpu.vector_load %arg8[%swap3A_61] {strides = array<i32>} : memref<128xi32, #tpu.memory_space<vmem>>, vector<16xi32>,
    tpu.vector_store %arg8[%swap3A_61], %add3A_60 {strides = array<i32>} : memref<128xi32, #tpu.memory_space<vmem>>, vector<16xi32>,
    %get3A_63 = arith.constant 112 : index
    %get3A_64 = tpu.vector_load %arg7[%get3A_63] {strides = array<i32>} : memref<128xi32, #tpu.memory_space<vmem>>, vector<16xi32>,
    %add3A_65 = arith.constant 50000 : i32
    %add3A_66 = vector.broadcast %add3A_65 : i32 to vector<16xi32>
    %add3A_67 = arith.addi %get3A_64, %add3A_66 : vector<16xi32>
    %swap3A_68 = arith.constant 112 : index
    %swap3A_69 = tpu.vector_load %arg8[%swap3A_68] {strides = array<i32>} : memref<128xi32, #tpu.memory_space<vmem>>, vector<16xi32>,
    tpu.vector_store %arg8[%swap3A_68], %add3A_67 {strides = array<i32>} : memref<128xi32, #tpu.memory_space<vmem>>, vector<16xi32>,
    %dma_start3A_70 = arith.constant 0 : i32
    %dma_start3A_71 = arith.constant 0 : i32
    %dma_start3A_72 = tpu.memref_slice %arg10[%dma_start3A_70, %dma_start3A_71] : memref<128x128xf32, #tpu.memory_space<vmem>> -> memref<64x128xf32, #tpu.memory_space<vmem>>
    %dma_start3A_73 = arith.constant 0 : i32
    %dma_start3A_74 = tpu.memref_slice %arg8[%dma_start3A_73] : memref<128xi32, #tpu.memory_space<vmem>> -> memref<64xi32, #tpu.memory_space<vmem>>
    %dma_start3A_75 = arith.constant 0 : i32
    %dma_start3A_76 = tpu.memref_slice %arg2[%dma_start3A_75, %multiple_of3A] : memref<50512x4096xf32, #tpu.memory_space<hbm>> -> memref<50512x128xf32, #tpu.memory_space<hbm>>
    tpu.enqueue_indirect_dma source(%dma_start3A_76 : memref<50512x128xf32, #tpu.memory_space<hbm>>) target(%dma_start3A_72 : memref<64x128xf32, #tpu.memory_space<vmem>>) offsets(%dma_start3A_74 : memref<64xi32, #tpu.memory_space<vmem>>) semaphore(%arg13 : memref<!tpu.dma_semaphore, #tpu.memory_space<semaphore_mem>>)
    %dma_start3A_77 = arith.constant 64 : i32
    %dma_start3A_78 = arith.constant 0 : i32
    %dma_start3A_79 = tpu.memref_slice %arg10[%dma_start3A_77, %dma_start3A_78] : memref<128x128xf32, #tpu.memory_space<vmem>> -> memref<64x128xf32, #tpu.memory_space<vmem>>
    %dma_start3A_80 = arith.constant 64 : i32
    %dma_start3A_81 = tpu.memref_slice %arg8[%dma_start3A_80] : memref<128xi32, #tpu.memory_space<vmem>> -> memref<64xi32, #tpu.memory_space<vmem>>
    %dma_start3A_82 = arith.constant 0 : i32
    %dma_start3A_83 = tpu.memref_slice %arg2[%dma_start3A_82, %multiple_of3A] : memref<50512x4096xf32, #tpu.memory_space<hbm>> -> memref<50512x128xf32, #tpu.memory_space<hbm>>
    tpu.enqueue_indirect_dma source(%dma_start3A_83 : memref<50512x128xf32, #tpu.memory_space<hbm>>) target(%dma_start3A_79 : memref<64x128xf32, #tpu.memory_space<vmem>>) offsets(%dma_start3A_81 : memref<64xi32, #tpu.memory_space<vmem>>) semaphore(%arg15 : memref<!tpu.dma_semaphore, #tpu.memory_space<semaphore_mem>>)
    %dma_wait3A = arith.constant 0 : i32
    %dma_wait3A_84 = arith.constant 0 : i32
    %dma_wait3A_85 = tpu.memref_slice %arg9[%dma_wait3A, %dma_wait3A_84] : memref<128x128xf32, #tpu.memory_space<vmem>> -> memref<64x128xf32, #tpu.memory_space<vmem>>
    %dma_wait3A_86 = arith.constant 0 : i32
    %dma_wait3A_87 = tpu.memref_slice %arg6[%dma_wait3A_86] : memref<128xi32, #tpu.memory_space<vmem>> -> memref<64xi32, #tpu.memory_space<vmem>>
    %dma_wait3A_88 = arith.constant 0 : i32
    %dma_wait3A_89 = tpu.memref_slice %arg2[%dma_wait3A_88, %multiple_of3A] : memref<50512x4096xf32, #tpu.memory_space<hbm>> -> memref<50512x128xf32, #tpu.memory_space<hbm>>
    tpu.wait_indirect_dma semaphore(%arg12 : memref<!tpu.dma_semaphore, #tpu.memory_space<semaphore_mem>>) src(%dma_wait3A_89 : memref<50512x128xf32, #tpu.memory_space<hbm>>) dst(%dma_wait3A_85 : memref<64x128xf32, #tpu.memory_space<vmem>>)
    %dma_wait3A_90 = arith.constant 0 : i32
    %dma_wait3A_91 = arith.constant 0 : i32
    %dma_wait3A_92 = tpu.memref_slice %arg10[%dma_wait3A_90, %dma_wait3A_91] : memref<128x128xf32, #tpu.memory_space<vmem>> -> memref<64x128xf32, #tpu.memory_space<vmem>>
    %dma_wait3A_93 = arith.constant 0 : i32
    %dma_wait3A_94 = tpu.memref_slice %arg8[%dma_wait3A_93] : memref<128xi32, #tpu.memory_space<vmem>> -> memref<64xi32, #tpu.memory_space<vmem>>
    %dma_wait3A_95 = arith.constant 0 : i32
    %dma_wait3A_96 = tpu.memref_slice %arg2[%dma_wait3A_95, %multiple_of3A] : memref<50512x4096xf32, #tpu.memory_space<hbm>> -> memref<50512x128xf32, #tpu.memory_space<hbm>>
    tpu.wait_indirect_dma semaphore(%arg13 : memref<!tpu.dma_semaphore, #tpu.memory_space<semaphore_mem>>) src(%dma_wait3A_96 : memref<50512x128xf32, #tpu.memory_space<hbm>>) dst(%dma_wait3A_92 : memref<64x128xf32, #tpu.memory_space<vmem>>)
    %dma_wait3A_97 = arith.constant 64 : i32
    %dma_wait3A_98 = arith.constant 0 : i32
    %dma_wait3A_99 = tpu.memref_slice %arg9[%dma_wait3A_97, %dma_wait3A_98] : memref<128x128xf32, #tpu.memory_space<vmem>> -> memref<64x128xf32, #tpu.memory_space<vmem>>
    %dma_wait3A_100 = arith.constant 64 : i32
    %dma_wait3A_101 = tpu.memref_slice %arg6[%dma_wait3A_100] : memref<128xi32, #tpu.memory_space<vmem>> -> memref<64xi32, #tpu.memory_space<vmem>>
    %dma_wait3A_102 = arith.constant 0 : i32
    %dma_wait3A_103 = tpu.memref_slice %arg2[%dma_wait3A_102, %multiple_of3A] : memref<50512x4096xf32, #tpu.memory_space<hbm>> -> memref<50512x128xf32, #tpu.memory_space<hbm>>
    tpu.wait_indirect_dma semaphore(%arg14 : memref<!tpu.dma_semaphore, #tpu.memory_space<semaphore_mem>>) src(%dma_wait3A_103 : memref<50512x128xf32, #tpu.memory_space<hbm>>) dst(%dma_wait3A_99 : memref<64x128xf32, #tpu.memory_space<vmem>>)
    %dma_wait3A_104 = arith.constant 64 : i32
    %dma_wait3A_105 = arith.constant 0 : i32
    %dma_wait3A_106 = tpu.memref_slice %arg10[%dma_wait3A_104, %dma_wait3A_105] : memref<128x128xf32, #tpu.memory_space<vmem>> -> memref<64x128xf32, #tpu.memory_space<vmem>>
    %dma_wait3A_107 = arith.constant 64 : i32
    %dma_wait3A_108 = tpu.memref_slice %arg8[%dma_wait3A_107] : memref<128xi32, #tpu.memory_space<vmem>> -> memref<64xi32, #tpu.memory_space<vmem>>
    %dma_wait3A_109 = arith.constant 0 : i32
    %dma_wait3A_110 = tpu.memref_slice %arg2[%dma_wait3A_109, %multiple_of3A] : memref<50512x4096xf32, #tpu.memory_space<hbm>> -> memref<50512x128xf32, #tpu.memory_space<hbm>>
    tpu.wait_indirect_dma semaphore(%arg15 : memref<!tpu.dma_semaphore, #tpu.memory_space<semaphore_mem>>) src(%dma_wait3A_110 : memref<50512x128xf32, #tpu.memory_space<hbm>>) dst(%dma_wait3A_106 : memref<64x128xf32, #tpu.memory_space<vmem>>)
    %iota3A = tpu.iota {dimensions = array<i32: 0>} : vector<16xi32>
    %add3A_111 = arith.constant 0 : i32
    %add3A_112 = vector.broadcast %add3A_111 : i32 to vector<16xi32>
    %add3A_113 = arith.addi %iota3A, %add3A_112 : vector<16xi32>
    %get3A_114 = arith.constant 0 : index
    %get3A_115 = tpu.vector_load %arg6[%get3A_114] {strides = array<i32>} : memref<128xi32, #tpu.memory_space<vmem>>, vector<16xi32>,
    %get3A_116 = arith.constant 0 : index
    %get3A_117 = tpu.vector_load %arg7[%get3A_116] {strides = array<i32>} : memref<128xi32, #tpu.memory_space<vmem>>, vector<16xi32>,
    %gather3A = tpu.vector_load_idx %arg9[%add3A_113, %add3A_113] : memref<128x128xf32, #tpu.memory_space<vmem>>[vector<16xi32>, vector<16xi32>], vector<16xf32>,
    %gather3A_118 = tpu.vector_load_idx %arg10[%add3A_113, %add3A_113] : memref<128x128xf32, #tpu.memory_space<vmem>>[vector<16xi32>, vector<16xi32>], vector<16xf32>,
    %eq3A = arith.constant 0 : i32
    %eq3A_119 = vector.broadcast %eq3A : i32 to vector<16xi32>
    %eq3A_120 = arith.cmpi eq, %get3A_117, %eq3A_119 : vector<16xi32>
    %jit3A = arith.constant 0.000000e+00 : f32
    %broadcast_in_dim3A = vector.broadcast %jit3A : f32 to vector<16xf32>
    %select_n3A = arith.select %eq3A_120, %broadcast_in_dim3A, %gather3A_118 : vector<16xi1>, vector<16xf32>
    %add3A_121 = arith.constant 9.99999968E-21 : f32
    %add3A_122 = vector.broadcast %add3A_121 : f32 to vector<16xf32>
    %add3A_123 = arith.addf %select_n3A, %add3A_122 : vector<16xf32>
    %eq3A_124 = arith.constant 0 : i32
    %eq3A_125 = vector.broadcast %eq3A_124 : i32 to vector<16xi32>
    %eq3A_126 = arith.cmpi eq, %get3A_117, %eq3A_125 : vector<16xi32>
    %ne3A = arith.constant 0 : i32
    %ne3A_127 = vector.broadcast %ne3A : i32 to vector<16xi32>
    %ne3A_128 = arith.cmpi ne, %get3A_115, %ne3A_127 : vector<16xi32>
    %or3A = arith.ori %eq3A_126, %ne3A_128 : vector<16xi1>
    %add3A_129 = arith.addf %add3A_123, %gather3A : vector<16xf32>
    %select_n3A_130 = arith.select %or3A, %add3A_129, %add3A_123 : vector<16xi1>, vector<16xf32>
    %bitcast3A = vector.bitcast %select_n3A_130 : vector<16xf32> to vector<16xi32>
    %shift_right_arithmetic3A = arith.constant 23 : i32
    %shift_right_arithmetic3A_131 = vector.broadcast %shift_right_arithmetic3A : i32 to vector<16xi32>
    %shift_right_arithmetic3A_132 = arith.shrsi %bitcast3A, %shift_right_arithmetic3A_131 : vector<16xi32>
    %sub3A = arith.constant 127 : i32
    %sub3A_133 = vector.broadcast %sub3A : i32 to vector<16xi32>
    %sub3A_134 = arith.subi %shift_right_arithmetic3A_132, %sub3A_133 : vector<16xi32>
    %and3A = arith.constant 8388607 : i32
    %and3A_135 = vector.broadcast %and3A : i32 to vector<16xi32>
    %and3A_136 = arith.andi %bitcast3A, %and3A_135 : vector<16xi32>
    %or3A_137 = arith.constant 1065353216 : i32
    %or3A_138 = vector.broadcast %or3A_137 : i32 to vector<16xi32>
    %or3A_139 = arith.ori %and3A_136, %or3A_138 : vector<16xi32>
    %bitcast3A_140 = vector.bitcast %or3A_139 : vector<16xi32> to vector<16xf32>
    %sub3A_141 = arith.constant 1.000000e+00 : f32
    %sub3A_142 = vector.broadcast %sub3A_141 : f32 to vector<16xf32>
    %sub3A_143 = arith.subf %bitcast3A_140, %sub3A_142 : vector<16xf32>
    %add3A_144 = arith.constant 1.000000e+00 : f32
    %add3A_145 = vector.broadcast %add3A_144 : f32 to vector<16xf32>
    %add3A_146 = arith.addf %bitcast3A_140, %add3A_145 : vector<16xf32>
    %div3A = arith.divf %sub3A_143, %add3A_146 : vector<16xf32>
    %mul3A_147 = arith.mulf %div3A, %div3A : vector<16xf32>
    %mul3A_148 = arith.constant 0.111111112 : f32
    %mul3A_149 = vector.broadcast %mul3A_148 : f32 to vector<16xf32>
    %mul3A_150 = arith.mulf %mul3A_147, %mul3A_149 : vector<16xf32>
    %add3A_151 = arith.constant 0.142857149 : f32
    %add3A_152 = vector.broadcast %add3A_151 : f32 to vector<16xf32>
    %add3A_153 = arith.addf %add3A_152, %mul3A_150 : vector<16xf32>
    %mul3A_154 = arith.mulf %mul3A_147, %add3A_153 : vector<16xf32>
    %add3A_155 = arith.constant 2.000000e-01 : f32
    %add3A_156 = vector.broadcast %add3A_155 : f32 to vector<16xf32>
    %add3A_157 = arith.addf %add3A_156, %mul3A_154 : vector<16xf32>
    %mul3A_158 = arith.mulf %mul3A_147, %add3A_157 : vector<16xf32>
    %add3A_159 = arith.constant 0.333333343 : f32
    %add3A_160 = vector.broadcast %add3A_159 : f32 to vector<16xf32>
    %add3A_161 = arith.addf %add3A_160, %mul3A_158 : vector<16xf32>
    %mul3A_162 = arith.mulf %mul3A_147, %add3A_161 : vector<16xf32>
    %add3A_163 = arith.constant 1.000000e+00 : f32
    %add3A_164 = vector.broadcast %add3A_163 : f32 to vector<16xf32>
    %add3A_165 = arith.addf %add3A_164, %mul3A_162 : vector<16xf32>
    %convert_element_type3A = arith.sitofp %sub3A_134 : vector<16xi32> to vector<16xf32>
    %mul3A_166 = arith.constant 0.693147182 : f32
    %mul3A_167 = vector.broadcast %mul3A_166 : f32 to vector<16xf32>
    %mul3A_168 = arith.mulf %convert_element_type3A, %mul3A_167 : vector<16xf32>
    %mul3A_169 = arith.constant 2.000000e+00 : f32
    %mul3A_170 = vector.broadcast %mul3A_169 : f32 to vector<16xf32>
    %mul3A_171 = arith.mulf %mul3A_170, %div3A : vector<16xf32>
    %mul3A_172 = arith.mulf %mul3A_171, %add3A_165 : vector<16xf32>
    %add3A_173 = arith.addf %mul3A_168, %mul3A_172 : vector<16xf32>
    %neg3A = arith.constant 0.000000e+00 : f32
    %neg3A_174 = vector.broadcast %neg3A : f32 to vector<16xf32>
    %neg3A_175 = arith.subf %neg3A_174, %add3A_173 : vector<16xf32>
    %eq3A_176 = arith.constant -100 : i32
    %eq3A_177 = vector.broadcast %eq3A_176 : i32 to vector<16xi32>
    %eq3A_178 = arith.cmpi eq, %get3A_115, %eq3A_177 : vector<16xi32>
    %jit3A_179 = arith.constant 0.000000e+00 : f32
    %broadcast_in_dim3A_180 = vector.broadcast %jit3A_179 : f32 to vector<16xf32>
    %select_n3A_181 = arith.select %eq3A_178, %broadcast_in_dim3A_180, %neg3A_175 : vector<16xi1>, vector<16xf32>
    %swap3A_182 = arith.constant 0 : index
    %swap3A_183 = tpu.vector_load %arg11[%swap3A_182] {strides = array<i32>} : memref<128xf32, #tpu.memory_space<vmem>>, vector<16xf32>,
    tpu.vector_store %arg11[%swap3A_182], %select_n3A_181 {strides = array<i32>} : memref<128xf32, #tpu.memory_space<vmem>>, vector<16xf32>,
    %iota3A_184 = tpu.iota {dimensions = array<i32: 0>} : vector<16xi32>
    %add3A_185 = arith.constant 16 : i32
    %add3A_186 = vector.broadcast %add3A_185 : i32 to vector<16xi32>
    %add3A_187 = arith.addi %iota3A_184, %add3A_186 : vector<16xi32>
    %get3A_188 = arith.constant 16 : index
    %get3A_189 = tpu.vector_load %arg6[%get3A_188] {strides = array<i32>} : memref<128xi32, #tpu.memory_space<vmem>>, vector<16xi32>,
    %get3A_190 = arith.constant 16 : index
    %get3A_191 = tpu.vector_load %arg7[%get3A_190] {strides = array<i32>} : memref<128xi32, #tpu.memory_space<vmem>>, vector<16xi32>,
    %gather3A_192 = tpu.vector_load_idx %arg9[%add3A_187, %add3A_187] : memref<128x128xf32, #tpu.memory_space<vmem>>[vector<16xi32>, vector<16xi32>], vector<16xf32>,
    %gather3A_193 = tpu.vector_load_idx %arg10[%add3A_187, %add3A_187] : memref<128x128xf32, #tpu.memory_space<vmem>>[vector<16xi32>, vector<16xi32>], vector<16xf32>,
    %eq3A_194 = arith.constant 0 : i32
    %eq3A_195 = vector.broadcast %eq3A_194 : i32 to vector<16xi32>
    %eq3A_196 = arith.cmpi eq, %get3A_191, %eq3A_195 : vector<16xi32>
    %jit3A_197 = arith.constant 0.000000e+00 : f32
    %broadcast_in_dim3A_198 = vector.broadcast %jit3A_197 : f32 to vector<16xf32>
    %select_n3A_199 = arith.select %eq3A_196, %broadcast_in_dim3A_198, %gather3A_193 : vector<16xi1>, vector<16xf32>
    %add3A_200 = arith.constant 9.99999968E-21 : f32
    %add3A_201 = vector.broadcast %add3A_200 : f32 to vector<16xf32>
    %add3A_202 = arith.addf %select_n3A_199, %add3A_201 : vector<16xf32>
    %eq3A_203 = arith.constant 0 : i32
    %eq3A_204 = vector.broadcast %eq3A_203 : i32 to vector<16xi32>
    %eq3A_205 = arith.cmpi eq, %get3A_191, %eq3A_204 : vector<16xi32>
    %ne3A_206 = arith.constant 0 : i32
    %ne3A_207 = vector.broadcast %ne3A_206 : i32 to vector<16xi32>
    %ne3A_208 = arith.cmpi ne, %get3A_189, %ne3A_207 : vector<16xi32>
    %or3A_209 = arith.ori %eq3A_205, %ne3A_208 : vector<16xi1>
    %add3A_210 = arith.addf %add3A_202, %gather3A_192 : vector<16xf32>
    %select_n3A_211 = arith.select %or3A_209, %add3A_210, %add3A_202 : vector<16xi1>, vector<16xf32>
    %bitcast3A_212 = vector.bitcast %select_n3A_211 : vector<16xf32> to vector<16xi32>
    %shift_right_arithmetic3A_213 = arith.constant 23 : i32
    %shift_right_arithmetic3A_214 = vector.broadcast %shift_right_arithmetic3A_213 : i32 to vector<16xi32>
    %shift_right_arithmetic3A_215 = arith.shrsi %bitcast3A_212, %shift_right_arithmetic3A_214 : vector<16xi32>
    %sub3A_216 = arith.constant 127 : i32
    %sub3A_217 = vector.broadcast %sub3A_216 : i32 to vector<16xi32>
    %sub3A_218 = arith.subi %shift_right_arithmetic3A_215, %sub3A_217 : vector<16xi32>
    %and3A_219 = arith.constant 8388607 : i32
    %and3A_220 = vector.broadcast %and3A_219 : i32 to vector<16xi32>
    %and3A_221 = arith.andi %bitcast3A_212, %and3A_220 : vector<16xi32>
    %or3A_222 = arith.constant 1065353216 : i32
    %or3A_223 = vector.broadcast %or3A_222 : i32 to vector<16xi32>
    %or3A_224 = arith.ori %and3A_221, %or3A_223 : vector<16xi32>
    %bitcast3A_225 = vector.bitcast %or3A_224 : vector<16xi32> to vector<16xf32>
    %sub3A_226 = arith.constant 1.000000e+00 : f32
    %sub3A_227 = vector.broadcast %sub3A_226 : f32 to vector<16xf32>
    %sub3A_228 = arith.subf %bitcast3A_225, %sub3A_227 : vector<16xf32>
    %add3A_229 = arith.constant 1.000000e+00 : f32
    %add3A_230 = vector.broadcast %add3A_229 : f32 to vector<16xf32>
    %add3A_231 = arith.addf %bitcast3A_225, %add3A_230 : vector<16xf32>
    %div3A_232 = arith.divf %sub3A_228, %add3A_231 : vector<16xf32>
    %mul3A_233 = arith.mulf %div3A_232, %div3A_232 : vector<16xf32>
    %mul3A_234 = arith.constant 0.111111112 : f32
    %mul3A_235 = vector.broadcast %mul3A_234 : f32 to vector<16xf32>
    %mul3A_236 = arith.mulf %mul3A_233, %mul3A_235 : vector<16xf32>
    %add3A_237 = arith.constant 0.142857149 : f32
    %add3A_238 = vector.broadcast %add3A_237 : f32 to vector<16xf32>
    %add3A_239 = arith.addf %add3A_238, %mul3A_236 : vector<16xf32>
    %mul3A_240 = arith.mulf %mul3A_233, %add3A_239 : vector<16xf32>
    %add3A_241 = arith.constant 2.000000e-01 : f32
    %add3A_242 = vector.broadcast %add3A_241 : f32 to vector<16xf32>
    %add3A_243 = arith.addf %add3A_242, %mul3A_240 : vector<16xf32>
    %mul3A_244 = arith.mulf %mul3A_233, %add3A_243 : vector<16xf32>
    %add3A_245 = arith.constant 0.333333343 : f32
    %add3A_246 = vector.broadcast %add3A_245 : f32 to vector<16xf32>
    %add3A_247 = arith.addf %add3A_246, %mul3A_244 : vector<16xf32>
    %mul3A_248 = arith.mulf %mul3A_233, %add3A_247 : vector<16xf32>
    %add3A_249 = arith.constant 1.000000e+00 : f32
    %add3A_250 = vector.broadcast %add3A_249 : f32 to vector<16xf32>
    %add3A_251 = arith.addf %add3A_250, %mul3A_248 : vector<16xf32>
    %convert_element_type3A_252 = arith.sitofp %sub3A_218 : vector<16xi32> to vector<16xf32>
    %mul3A_253 = arith.constant 0.693147182 : f32
    %mul3A_254 = vector.broadcast %mul3A_253 : f32 to vector<16xf32>
    %mul3A_255 = arith.mulf %convert_element_type3A_252, %mul3A_254 : vector<16xf32>
    %mul3A_256 = arith.constant 2.000000e+00 : f32
    %mul3A_257 = vector.broadcast %mul3A_256 : f32 to vector<16xf32>
    %mul3A_258 = arith.mulf %mul3A_257, %div3A_232 : vector<16xf32>
    %mul3A_259 = arith.mulf %mul3A_258, %add3A_251 : vector<16xf32>
    %add3A_260 = arith.addf %mul3A_255, %mul3A_259 : vector<16xf32>
    %neg3A_261 = arith.constant 0.000000e+00 : f32
    %neg3A_262 = vector.broadcast %neg3A_261 : f32 to vector<16xf32>
    %neg3A_263 = arith.subf %neg3A_262, %add3A_260 : vector<16xf32>
    %eq3A_264 = arith.constant -100 : i32
    %eq3A_265 = vector.broadcast %eq3A_264 : i32 to vector<16xi32>
    %eq3A_266 = arith.cmpi eq, %get3A_189, %eq3A_265 : vector<16xi32>
    %jit3A_267 = arith.constant 0.000000e+00 : f32
    %broadcast_in_dim3A_268 = vector.broadcast %jit3A_267 : f32 to vector<16xf32>
    %select_n3A_269 = arith.select %eq3A_266, %broadcast_in_dim3A_268, %neg3A_263 : vector<16xi1>, vector<16xf32>
    %swap3A_270 = arith.constant 16 : index
    %swap3A_271 = tpu.vector_load %arg11[%swap3A_270] {strides = array<i32>} : memref<128xf32, #tpu.memory_space<vmem>>, vector<16xf32>,
    tpu.vector_store %arg11[%swap3A_270], %select_n3A_269 {strides = array<i32>} : memref<128xf32, #tpu.memory_space<vmem>>, vector<16xf32>,
    %iota3A_272 = tpu.iota {dimensions = array<i32: 0>} : vector<16xi32>
    %add3A_273 = arith.constant 32 : i32
    %add3A_274 = vector.broadcast %add3A_273 : i32 to vector<16xi32>
    %add3A_275 = arith.addi %iota3A_272, %add3A_274 : vector<16xi32>
    %get3A_276 = arith.constant 32 : index
    %get3A_277 = tpu.vector_load %arg6[%get3A_276] {strides = array<i32>} : memref<128xi32, #tpu.memory_space<vmem>>, vector<16xi32>,
    %get3A_278 = arith.constant 32 : index
    %get3A_279 = tpu.vector_load %arg7[%get3A_278] {strides = array<i32>} : memref<128xi32, #tpu.memory_space<vmem>>, vector<16xi32>,
    %gather3A_280 = tpu.vector_load_idx %arg9[%add3A_275, %add3A_275] : memref<128x128xf32, #tpu.memory_space<vmem>>[vector<16xi32>, vector<16xi32>], vector<16xf32>,
    %gather3A_281 = tpu.vector_load_idx %arg10[%add3A_275, %add3A_275] : memref<128x128xf32, #tpu.memory_space<vmem>>[vector<16xi32>, vector<16xi32>], vector<16xf32>,
    %eq3A_282 = arith.constant 0 : i32
    %eq3A_283 = vector.broadcast %eq3A_282 : i32 to vector<16xi32>
    %eq3A_284 = arith.cmpi eq, %get3A_279, %eq3A_283 : vector<16xi32>
    %jit3A_285 = arith.constant 0.000000e+00 : f32
    %broadcast_in_dim3A_286 = vector.broadcast %jit3A_285 : f32 to vector<16xf32>
    %select_n3A_287 = arith.select %eq3A_284, %broadcast_in_dim3A_286, %gather3A_281 : vector<16xi1>, vector<16xf32>
    %add3A_288 = arith.constant 9.99999968E-21 : f32
    %add3A_289 = vector.broadcast %add3A_288 : f32 to vector<16xf32>
    %add3A_290 = arith.addf %select_n3A_287, %add3A_289 : vector<16xf32>
    %eq3A_291 = arith.constant 0 : i32
    %eq3A_292 = vector.broadcast %eq3A_291 : i32 to vector<16xi32>
    %eq3A_293 = arith.cmpi eq, %get3A_279, %eq3A_292 : vector<16xi32>
    %ne3A_294 = arith.constant 0 : i32
    %ne3A_295 = vector.broadcast %ne3A_294 : i32 to vector<16xi32>
    %ne3A_296 = arith.cmpi ne, %get3A_277, %ne3A_295 : vector<16xi32>
    %or3A_297 = arith.ori %eq3A_293, %ne3A_296 : vector<16xi1>
    %add3A_298 = arith.addf %add3A_290, %gather3A_280 : vector<16xf32>
    %select_n3A_299 = arith.select %or3A_297, %add3A_298, %add3A_290 : vector<16xi1>, vector<16xf32>
    %bitcast3A_300 = vector.bitcast %select_n3A_299 : vector<16xf32> to vector<16xi32>
    %shift_right_arithmetic3A_301 = arith.constant 23 : i32
    %shift_right_arithmetic3A_302 = vector.broadcast %shift_right_arithmetic3A_301 : i32 to vector<16xi32>
    %shift_right_arithmetic3A_303 = arith.shrsi %bitcast3A_300, %shift_right_arithmetic3A_302 : vector<16xi32>
    %sub3A_304 = arith.constant 127 : i32
    %sub3A_305 = vector.broadcast %sub3A_304 : i32 to vector<16xi32>
    %sub3A_306 = arith.subi %shift_right_arithmetic3A_303, %sub3A_305 : vector<16xi32>
    %and3A_307 = arith.constant 8388607 : i32
    %and3A_308 = vector.broadcast %and3A_307 : i32 to vector<16xi32>
    %and3A_309 = arith.andi %bitcast3A_300, %and3A_308 : vector<16xi32>
    %or3A_310 = arith.constant 1065353216 : i32
    %or3A_311 = vector.broadcast %or3A_310 : i32 to vector<16xi32>
    %or3A_312 = arith.ori %and3A_309, %or3A_311 : vector<16xi32>
    %bitcast3A_313 = vector.bitcast %or3A_312 : vector<16xi32> to vector<16xf32>
    %sub3A_314 = arith.constant 1.000000e+00 : f32
    %sub3A_315 = vector.broadcast %sub3A_314 : f32 to vector<16xf32>
    %sub3A_316 = arith.subf %bitcast3A_313, %sub3A_315 : vector<16xf32>
    %add3A_317 = arith.constant 1.000000e+00 : f32
    %add3A_318 = vector.broadcast %add3A_317 : f32 to vector<16xf32>
    %add3A_319 = arith.addf %bitcast3A_313, %add3A_318 : vector<16xf32>
    %div3A_320 = arith.divf %sub3A_316, %add3A_319 : vector<16xf32>
    %mul3A_321 = arith.mulf %div3A_320, %div3A_320 : vector<16xf32>
    %mul3A_322 = arith.constant 0.111111112 : f32
    %mul3A_323 = vector.broadcast %mul3A_322 : f32 to vector<16xf32>
    %mul3A_324 = arith.mulf %mul3A_321, %mul3A_323 : vector<16xf32>
    %add3A_325 = arith.constant 0.142857149 : f32
    %add3A_326 = vector.broadcast %add3A_325 : f32 to vector<16xf32>
    %add3A_327 = arith.addf %add3A_326, %mul3A_324 : vector<16xf32>
    %mul3A_328 = arith.mulf %mul3A_321, %add3A_327 : vector<16xf32>
    %add3A_329 = arith.constant 2.000000e-01 : f32
    %add3A_330 = vector.broadcast %add3A_329 : f32 to vector<16xf32>
    %add3A_331 = arith.addf %add3A_330, %mul3A_328 : vector<16xf32>
    %mul3A_332 = arith.mulf %mul3A_321, %add3A_331 : vector<16xf32>
    %add3A_333 = arith.constant 0.333333343 : f32
    %add3A_334 = vector.broadcast %add3A_333 : f32 to vector<16xf32>
    %add3A_335 = arith.addf %add3A_334, %mul3A_332 : vector<16xf32>
    %mul3A_336 = arith.mulf %mul3A_321, %add3A_335 : vector<16xf32>
    %add3A_337 = arith.constant 1.000000e+00 : f32
    %add3A_338 = vector.broadcast %add3A_337 : f32 to vector<16xf32>
    %add3A_339 = arith.addf %add3A_338, %mul3A_336 : vector<16xf32>
    %convert_element_type3A_340 = arith.sitofp %sub3A_306 : vector<16xi32> to vector<16xf32>
    %mul3A_341 = arith.constant 0.693147182 : f32
    %mul3A_342 = vector.broadcast %mul3A_341 : f32 to vector<16xf32>
    %mul3A_343 = arith.mulf %convert_element_type3A_340, %mul3A_342 : vector<16xf32>
    %mul3A_344 = arith.constant 2.000000e+00 : f32
    %mul3A_345 = vector.broadcast %mul3A_344 : f32 to vector<16xf32>
    %mul3A_346 = arith.mulf %mul3A_345, %div3A_320 : vector<16xf32>
    %mul3A_347 = arith.mulf %mul3A_346, %add3A_339 : vector<16xf32>
    %add3A_348 = arith.addf %mul3A_343, %mul3A_347 : vector<16xf32>
    %neg3A_349 = arith.constant 0.000000e+00 : f32
    %neg3A_350 = vector.broadcast %neg3A_349 : f32 to vector<16xf32>
    %neg3A_351 = arith.subf %neg3A_350, %add3A_348 : vector<16xf32>
    %eq3A_352 = arith.constant -100 : i32
    %eq3A_353 = vector.broadcast %eq3A_352 : i32 to vector<16xi32>
    %eq3A_354 = arith.cmpi eq, %get3A_277, %eq3A_353 : vector<16xi32>
    %jit3A_355 = arith.constant 0.000000e+00 : f32
    %broadcast_in_dim3A_356 = vector.broadcast %jit3A_355 : f32 to vector<16xf32>
    %select_n3A_357 = arith.select %eq3A_354, %broadcast_in_dim3A_356, %neg3A_351 : vector<16xi1>, vector<16xf32>
    %swap3A_358 = arith.constant 32 : index
    %swap3A_359 = tpu.vector_load %arg11[%swap3A_358] {strides = array<i32>} : memref<128xf32, #tpu.memory_space<vmem>>, vector<16xf32>,
    tpu.vector_store %arg11[%swap3A_358], %select_n3A_357 {strides = array<i32>} : memref<128xf32, #tpu.memory_space<vmem>>, vector<16xf32>,
    %iota3A_360 = tpu.iota {dimensions = array<i32: 0>} : vector<16xi32>
    %add3A_361 = arith.constant 48 : i32
    %add3A_362 = vector.broadcast %add3A_361 : i32 to vector<16xi32>
    %add3A_363 = arith.addi %iota3A_360, %add3A_362 : vector<16xi32>
    %get3A_364 = arith.constant 48 : index
    %get3A_365 = tpu.vector_load %arg6[%get3A_364] {strides = array<i32>} : memref<128xi32, #tpu.memory_space<vmem>>, vector<16xi32>,
    %get3A_366 = arith.constant 48 : index
    %get3A_367 = tpu.vector_load %arg7[%get3A_366] {strides = array<i32>} : memref<128xi32, #tpu.memory_space<vmem>>, vector<16xi32>,
    %gather3A_368 = tpu.vector_load_idx %arg9[%add3A_363, %add3A_363] : memref<128x128xf32, #tpu.memory_space<vmem>>[vector<16xi32>, vector<16xi32>], vector<16xf32>,
    %gather3A_369 = tpu.vector_load_idx %arg10[%add3A_363, %add3A_363] : memref<128x128xf32, #tpu.memory_space<vmem>>[vector<16xi32>, vector<16xi32>], vector<16xf32>,
    %eq3A_370 = arith.constant 0 : i32
    %eq3A_371 = vector.broadcast %eq3A_370 : i32 to vector<16xi32>
    %eq3A_372 = arith.cmpi eq, %get3A_367, %eq3A_371 : vector<16xi32>
    %jit3A_373 = arith.constant 0.000000e+00 : f32
    %broadcast_in_dim3A_374 = vector.broadcast %jit3A_373 : f32 to vector<16xf32>
    %select_n3A_375 = arith.select %eq3A_372, %broadcast_in_dim3A_374, %gather3A_369 : vector<16xi1>, vector<16xf32>
    %add3A_376 = arith.constant 9.99999968E-21 : f32
    %add3A_377 = vector.broadcast %add3A_376 : f32 to vector<16xf32>
    %add3A_378 = arith.addf %select_n3A_375, %add3A_377 : vector<16xf32>
    %eq3A_379 = arith.constant 0 : i32
    %eq3A_380 = vector.broadcast %eq3A_379 : i32 to vector<16xi32>
    %eq3A_381 = arith.cmpi eq, %get3A_367, %eq3A_380 : vector<16xi32>
    %ne3A_382 = arith.constant 0 : i32
    %ne3A_383 = vector.broadcast %ne3A_382 : i32 to vector<16xi32>
    %ne3A_384 = arith.cmpi ne, %get3A_365, %ne3A_383 : vector<16xi32>
    %or3A_385 = arith.ori %eq3A_381, %ne3A_384 : vector<16xi1>
    %add3A_386 = arith.addf %add3A_378, %gather3A_368 : vector<16xf32>
    %select_n3A_387 = arith.select %or3A_385, %add3A_386, %add3A_378 : vector<16xi1>, vector<16xf32>
    %bitcast3A_388 = vector.bitcast %select_n3A_387 : vector<16xf32> to vector<16xi32>
    %shift_right_arithmetic3A_389 = arith.constant 23 : i32
    %shift_right_arithmetic3A_390 = vector.broadcast %shift_right_arithmetic3A_389 : i32 to vector<16xi32>
    %shift_right_arithmetic3A_391 = arith.shrsi %bitcast3A_388, %shift_right_arithmetic3A_390 : vector<16xi32>
    %sub3A_392 = arith.constant 127 : i32
    %sub3A_393 = vector.broadcast %sub3A_392 : i32 to vector<16xi32>
    %sub3A_394 = arith.subi %shift_right_arithmetic3A_391, %sub3A_393 : vector<16xi32>
    %and3A_395 = arith.constant 8388607 : i32
    %and3A_396 = vector.broadcast %and3A_395 : i32 to vector<16xi32>
    %and3A_397 = arith.andi %bitcast3A_388, %and3A_396 : vector<16xi32>
    %or3A_398 = arith.constant 1065353216 : i32
    %or3A_399 = vector.broadcast %or3A_398 : i32 to vector<16xi32>
    %or3A_400 = arith.ori %and3A_397, %or3A_399 : vector<16xi32>
    %bitcast3A_401 = vector.bitcast %or3A_400 : vector<16xi32> to vector<16xf32>
    %sub3A_402 = arith.constant 1.000000e+00 : f32
    %sub3A_403 = vector.broadcast %sub3A_402 : f32 to vector<16xf32>
    %sub3A_404 = arith.subf %bitcast3A_401, %sub3A_403 : vector<16xf32>
    %add3A_405 = arith.constant 1.000000e+00 : f32
    %add3A_406 = vector.broadcast %add3A_405 : f32 to vector<16xf32>
    %add3A_407 = arith.addf %bitcast3A_401, %add3A_406 : vector<16xf32>
    %div3A_408 = arith.divf %sub3A_404, %add3A_407 : vector<16xf32>
    %mul3A_409 = arith.mulf %div3A_408, %div3A_408 : vector<16xf32>
    %mul3A_410 = arith.constant 0.111111112 : f32
    %mul3A_411 = vector.broadcast %mul3A_410 : f32 to vector<16xf32>
    %mul3A_412 = arith.mulf %mul3A_409, %mul3A_411 : vector<16xf32>
    %add3A_413 = arith.constant 0.142857149 : f32
    %add3A_414 = vector.broadcast %add3A_413 : f32 to vector<16xf32>
    %add3A_415 = arith.addf %add3A_414, %mul3A_412 : vector<16xf32>
    %mul3A_416 = arith.mulf %mul3A_409, %add3A_415 : vector<16xf32>
    %add3A_417 = arith.constant 2.000000e-01 : f32
    %add3A_418 = vector.broadcast %add3A_417 : f32 to vector<16xf32>
    %add3A_419 = arith.addf %add3A_418, %mul3A_416 : vector<16xf32>
    %mul3A_420 = arith.mulf %mul3A_409, %add3A_419 : vector<16xf32>
    %add3A_421 = arith.constant 0.333333343 : f32
    %add3A_422 = vector.broadcast %add3A_421 : f32 to vector<16xf32>
    %add3A_423 = arith.addf %add3A_422, %mul3A_420 : vector<16xf32>
    %mul3A_424 = arith.mulf %mul3A_409, %add3A_423 : vector<16xf32>
    %add3A_425 = arith.constant 1.000000e+00 : f32
    %add3A_426 = vector.broadcast %add3A_425 : f32 to vector<16xf32>
    %add3A_427 = arith.addf %add3A_426, %mul3A_424 : vector<16xf32>
    %convert_element_type3A_428 = arith.sitofp %sub3A_394 : vector<16xi32> to vector<16xf32>
    %mul3A_429 = arith.constant 0.693147182 : f32
    %mul3A_430 = vector.broadcast %mul3A_429 : f32 to vector<16xf32>
    %mul3A_431 = arith.mulf %convert_element_type3A_428, %mul3A_430 : vector<16xf32>
    %mul3A_432 = arith.constant 2.000000e+00 : f32
    %mul3A_433 = vector.broadcast %mul3A_432 : f32 to vector<16xf32>
    %mul3A_434 = arith.mulf %mul3A_433, %div3A_408 : vector<16xf32>
    %mul3A_435 = arith.mulf %mul3A_434, %add3A_427 : vector<16xf32>
    %add3A_436 = arith.addf %mul3A_431, %mul3A_435 : vector<16xf32>
    %neg3A_437 = arith.constant 0.000000e+00 : f32
    %neg3A_438 = vector.broadcast %neg3A_437 : f32 to vector<16xf32>
    %neg3A_439 = arith.subf %neg3A_438, %add3A_436 : vector<16xf32>
    %eq3A_440 = arith.constant -100 : i32
    %eq3A_441 = vector.broadcast %eq3A_440 : i32 to vector<16xi32>
    %eq3A_442 = arith.cmpi eq, %get3A_365, %eq3A_441 : vector<16xi32>
    %jit3A_443 = arith.constant 0.000000e+00 : f32
    %broadcast_in_dim3A_444 = vector.broadcast %jit3A_443 : f32 to vector<16xf32>
    %select_n3A_445 = arith.select %eq3A_442, %broadcast_in_dim3A_444, %neg3A_439 : vector<16xi1>, vector<16xf32>
    %swap3A_446 = arith.constant 48 : index
    %swap3A_447 = tpu.vector_load %arg11[%swap3A_446] {strides = array<i32>} : memref<128xf32, #tpu.memory_space<vmem>>, vector<16xf32>,
    tpu.vector_store %arg11[%swap3A_446], %select_n3A_445 {strides = array<i32>} : memref<128xf32, #tpu.memory_space<vmem>>, vector<16xf32>,
    %iota3A_448 = tpu.iota {dimensions = array<i32: 0>} : vector<16xi32>
    %add3A_449 = arith.constant 64 : i32
    %add3A_450 = vector.broadcast %add3A_449 : i32 to vector<16xi32>
    %add3A_451 = arith.addi %iota3A_448, %add3A_450 : vector<16xi32>
    %get3A_452 = arith.constant 64 : index
    %get3A_453 = tpu.vector_load %arg6[%get3A_452] {strides = array<i32>} : memref<128xi32, #tpu.memory_space<vmem>>, vector<16xi32>,
    %get3A_454 = arith.constant 64 : index
    %get3A_455 = tpu.vector_load %arg7[%get3A_454] {strides = array<i32>} : memref<128xi32, #tpu.memory_space<vmem>>, vector<16xi32>,
    %gather3A_456 = tpu.vector_load_idx %arg9[%add3A_451, %add3A_451] : memref<128x128xf32, #tpu.memory_space<vmem>>[vector<16xi32>, vector<16xi32>], vector<16xf32>,
    %gather3A_457 = tpu.vector_load_idx %arg10[%add3A_451, %add3A_451] : memref<128x128xf32, #tpu.memory_space<vmem>>[vector<16xi32>, vector<16xi32>], vector<16xf32>,
    %eq3A_458 = arith.constant 0 : i32
    %eq3A_459 = vector.broadcast %eq3A_458 : i32 to vector<16xi32>
    %eq3A_460 = arith.cmpi eq, %get3A_455, %eq3A_459 : vector<16xi32>
    %jit3A_461 = arith.constant 0.000000e+00 : f32
    %broadcast_in_dim3A_462 = vector.broadcast %jit3A_461 : f32 to vector<16xf32>
    %select_n3A_463 = arith.select %eq3A_460, %broadcast_in_dim3A_462, %gather3A_457 : vector<16xi1>, vector<16xf32>
    %add3A_464 = arith.constant 9.99999968E-21 : f32
    %add3A_465 = vector.broadcast %add3A_464 : f32 to vector<16xf32>
    %add3A_466 = arith.addf %select_n3A_463, %add3A_465 : vector<16xf32>
    %eq3A_467 = arith.constant 0 : i32
    %eq3A_468 = vector.broadcast %eq3A_467 : i32 to vector<16xi32>
    %eq3A_469 = arith.cmpi eq, %get3A_455, %eq3A_468 : vector<16xi32>
    %ne3A_470 = arith.constant 0 : i32
    %ne3A_471 = vector.broadcast %ne3A_470 : i32 to vector<16xi32>
    %ne3A_472 = arith.cmpi ne, %get3A_453, %ne3A_471 : vector<16xi32>
    %or3A_473 = arith.ori %eq3A_469, %ne3A_472 : vector<16xi1>
    %add3A_474 = arith.addf %add3A_466, %gather3A_456 : vector<16xf32>
    %select_n3A_475 = arith.select %or3A_473, %add3A_474, %add3A_466 : vector<16xi1>, vector<16xf32>
    %bitcast3A_476 = vector.bitcast %select_n3A_475 : vector<16xf32> to vector<16xi32>
    %shift_right_arithmetic3A_477 = arith.constant 23 : i32
    %shift_right_arithmetic3A_478 = vector.broadcast %shift_right_arithmetic3A_477 : i32 to vector<16xi32>
    %shift_right_arithmetic3A_479 = arith.shrsi %bitcast3A_476, %shift_right_arithmetic3A_478 : vector<16xi32>
    %sub3A_480 = arith.constant 127 : i32
    %sub3A_481 = vector.broadcast %sub3A_480 : i32 to vector<16xi32>
    %sub3A_482 = arith.subi %shift_right_arithmetic3A_479, %sub3A_481 : vector<16xi32>
    %and3A_483 = arith.constant 8388607 : i32
    %and3A_484 = vector.broadcast %and3A_483 : i32 to vector<16xi32>
    %and3A_485 = arith.andi %bitcast3A_476, %and3A_484 : vector<16xi32>
    %or3A_486 = arith.constant 1065353216 : i32
    %or3A_487 = vector.broadcast %or3A_486 : i32 to vector<16xi32>
    %or3A_488 = arith.ori %and3A_485, %or3A_487 : vector<16xi32>
    %bitcast3A_489 = vector.bitcast %or3A_488 : vector<16xi32> to vector<16xf32>
    %sub3A_490 = arith.constant 1.000000e+00 : f32
    %sub3A_491 = vector.broadcast %sub3A_490 : f32 to vector<16xf32>
    %sub3A_492 = arith.subf %bitcast3A_489, %sub3A_491 : vector<16xf32>
    %add3A_493 = arith.constant 1.000000e+00 : f32
    %add3A_494 = vector.broadcast %add3A_493 : f32 to vector<16xf32>
    %add3A_495 = arith.addf %bitcast3A_489, %add3A_494 : vector<16xf32>
    %div3A_496 = arith.divf %sub3A_492, %add3A_495 : vector<16xf32>
    %mul3A_497 = arith.mulf %div3A_496, %div3A_496 : vector<16xf32>
    %mul3A_498 = arith.constant 0.111111112 : f32
    %mul3A_499 = vector.broadcast %mul3A_498 : f32 to vector<16xf32>
    %mul3A_500 = arith.mulf %mul3A_497, %mul3A_499 : vector<16xf32>
    %add3A_501 = arith.constant 0.142857149 : f32
    %add3A_502 = vector.broadcast %add3A_501 : f32 to vector<16xf32>
    %add3A_503 = arith.addf %add3A_502, %mul3A_500 : vector<16xf32>
    %mul3A_504 = arith.mulf %mul3A_497, %add3A_503 : vector<16xf32>
    %add3A_505 = arith.constant 2.000000e-01 : f32
    %add3A_506 = vector.broadcast %add3A_505 : f32 to vector<16xf32>
    %add3A_507 = arith.addf %add3A_506, %mul3A_504 : vector<16xf32>
    %mul3A_508 = arith.mulf %mul3A_497, %add3A_507 : vector<16xf32>
    %add3A_509 = arith.constant 0.333333343 : f32
    %add3A_510 = vector.broadcast %add3A_509 : f32 to vector<16xf32>
    %add3A_511 = arith.addf %add3A_510, %mul3A_508 : vector<16xf32>
    %mul3A_512 = arith.mulf %mul3A_497, %add3A_511 : vector<16xf32>
    %add3A_513 = arith.constant 1.000000e+00 : f32
    %add3A_514 = vector.broadcast %add3A_513 : f32 to vector<16xf32>
    %add3A_515 = arith.addf %add3A_514, %mul3A_512 : vector<16xf32>
    %convert_element_type3A_516 = arith.sitofp %sub3A_482 : vector<16xi32> to vector<16xf32>
    %mul3A_517 = arith.constant 0.693147182 : f32
    %mul3A_518 = vector.broadcast %mul3A_517 : f32 to vector<16xf32>
    %mul3A_519 = arith.mulf %convert_element_type3A_516, %mul3A_518 : vector<16xf32>
    %mul3A_520 = arith.constant 2.000000e+00 : f32
    %mul3A_521 = vector.broadcast %mul3A_520 : f32 to vector<16xf32>
    %mul3A_522 = arith.mulf %mul3A_521, %div3A_496 : vector<16xf32>
    %mul3A_523 = arith.mulf %mul3A_522, %add3A_515 : vector<16xf32>
    %add3A_524 = arith.addf %mul3A_519, %mul3A_523 : vector<16xf32>
    %neg3A_525 = arith.constant 0.000000e+00 : f32
    %neg3A_526 = vector.broadcast %neg3A_525 : f32 to vector<16xf32>
    %neg3A_527 = arith.subf %neg3A_526, %add3A_524 : vector<16xf32>
    %eq3A_528 = arith.constant -100 : i32
    %eq3A_529 = vector.broadcast %eq3A_528 : i32 to vector<16xi32>
    %eq3A_530 = arith.cmpi eq, %get3A_453, %eq3A_529 : vector<16xi32>
    %jit3A_531 = arith.constant 0.000000e+00 : f32
    %broadcast_in_dim3A_532 = vector.broadcast %jit3A_531 : f32 to vector<16xf32>
    %select_n3A_533 = arith.select %eq3A_530, %broadcast_in_dim3A_532, %neg3A_527 : vector<16xi1>, vector<16xf32>
    %swap3A_534 = arith.constant 64 : index
    %swap3A_535 = tpu.vector_load %arg11[%swap3A_534] {strides = array<i32>} : memref<128xf32, #tpu.memory_space<vmem>>, vector<16xf32>,
    tpu.vector_store %arg11[%swap3A_534], %select_n3A_533 {strides = array<i32>} : memref<128xf32, #tpu.memory_space<vmem>>, vector<16xf32>,
    %iota3A_536 = tpu.iota {dimensions = array<i32: 0>} : vector<16xi32>
    %add3A_537 = arith.constant 80 : i32
    %add3A_538 = vector.broadcast %add3A_537 : i32 to vector<16xi32>
    %add3A_539 = arith.addi %iota3A_536, %add3A_538 : vector<16xi32>
    %get3A_540 = arith.constant 80 : index
    %get3A_541 = tpu.vector_load %arg6[%get3A_540] {strides = array<i32>} : memref<128xi32, #tpu.memory_space<vmem>>, vector<16xi32>,
    %get3A_542 = arith.constant 80 : index
    %get3A_543 = tpu.vector_load %arg7[%get3A_542] {strides = array<i32>} : memref<128xi32, #tpu.memory_space<vmem>>, vector<16xi32>,
    %gather3A_544 = tpu.vector_load_idx %arg9[%add3A_539, %add3A_539] : memref<128x128xf32, #tpu.memory_space<vmem>>[vector<16xi32>, vector<16xi32>], vector<16xf32>,
    %gather3A_545 = tpu.vector_load_idx %arg10[%add3A_539, %add3A_539] : memref<128x128xf32, #tpu.memory_space<vmem>>[vector<16xi32>, vector<16xi32>], vector<16xf32>,
    %eq3A_546 = arith.constant 0 : i32
    %eq3A_547 = vector.broadcast %eq3A_546 : i32 to vector<16xi32>
    %eq3A_548 = arith.cmpi eq, %get3A_543, %eq3A_547 : vector<16xi32>
    %jit3A_549 = arith.constant 0.000000e+00 : f32
    %broadcast_in_dim3A_550 = vector.broadcast %jit3A_549 : f32 to vector<16xf32>
    %select_n3A_551 = arith.select %eq3A_548, %broadcast_in_dim3A_550, %gather3A_545 : vector<16xi1>, vector<16xf32>
    %add3A_552 = arith.constant 9.99999968E-21 : f32
    %add3A_553 = vector.broadcast %add3A_552 : f32 to vector<16xf32>
    %add3A_554 = arith.addf %select_n3A_551, %add3A_553 : vector<16xf32>
    %eq3A_555 = arith.constant 0 : i32
    %eq3A_556 = vector.broadcast %eq3A_555 : i32 to vector<16xi32>
    %eq3A_557 = arith.cmpi eq, %get3A_543, %eq3A_556 : vector<16xi32>
    %ne3A_558 = arith.constant 0 : i32
    %ne3A_559 = vector.broadcast %ne3A_558 : i32 to vector<16xi32>
    %ne3A_560 = arith.cmpi ne, %get3A_541, %ne3A_559 : vector<16xi32>
    %or3A_561 = arith.ori %eq3A_557, %ne3A_560 : vector<16xi1>
    %add3A_562 = arith.addf %add3A_554, %gather3A_544 : vector<16xf32>
    %select_n3A_563 = arith.select %or3A_561, %add3A_562, %add3A_554 : vector<16xi1>, vector<16xf32>
    %bitcast3A_564 = vector.bitcast %select_n3A_563 : vector<16xf32> to vector<16xi32>
    %shift_right_arithmetic3A_565 = arith.constant 23 : i32
    %shift_right_arithmetic3A_566 = vector.broadcast %shift_right_arithmetic3A_565 : i32 to vector<16xi32>
    %shift_right_arithmetic3A_567 = arith.shrsi %bitcast3A_564, %shift_right_arithmetic3A_566 : vector<16xi32>
    %sub3A_568 = arith.constant 127 : i32
    %sub3A_569 = vector.broadcast %sub3A_568 : i32 to vector<16xi32>
    %sub3A_570 = arith.subi %shift_right_arithmetic3A_567, %sub3A_569 : vector<16xi32>
    %and3A_571 = arith.constant 8388607 : i32
    %and3A_572 = vector.broadcast %and3A_571 : i32 to vector<16xi32>
    %and3A_573 = arith.andi %bitcast3A_564, %and3A_572 : vector<16xi32>
    %or3A_574 = arith.constant 1065353216 : i32
    %or3A_575 = vector.broadcast %or3A_574 : i32 to vector<16xi32>
    %or3A_576 = arith.ori %and3A_573, %or3A_575 : vector<16xi32>
    %bitcast3A_577 = vector.bitcast %or3A_576 : vector<16xi32> to vector<16xf32>
    %sub3A_578 = arith.constant 1.000000e+00 : f32
    %sub3A_579 = vector.broadcast %sub3A_578 : f32 to vector<16xf32>
    %sub3A_580 = arith.subf %bitcast3A_577, %sub3A_579 : vector<16xf32>
    %add3A_581 = arith.constant 1.000000e+00 : f32
    %add3A_582 = vector.broadcast %add3A_581 : f32 to vector<16xf32>
    %add3A_583 = arith.addf %bitcast3A_577, %add3A_582 : vector<16xf32>
    %div3A_584 = arith.divf %sub3A_580, %add3A_583 : vector<16xf32>
    %mul3A_585 = arith.mulf %div3A_584, %div3A_584 : vector<16xf32>
    %mul3A_586 = arith.constant 0.111111112 : f32
    %mul3A_587 = vector.broadcast %mul3A_586 : f32 to vector<16xf32>
    %mul3A_588 = arith.mulf %mul3A_585, %mul3A_587 : vector<16xf32>
    %add3A_589 = arith.constant 0.142857149 : f32
    %add3A_590 = vector.broadcast %add3A_589 : f32 to vector<16xf32>
    %add3A_591 = arith.addf %add3A_590, %mul3A_588 : vector<16xf32>
    %mul3A_592 = arith.mulf %mul3A_585, %add3A_591 : vector<16xf32>
    %add3A_593 = arith.constant 2.000000e-01 : f32
    %add3A_594 = vector.broadcast %add3A_593 : f32 to vector<16xf32>
    %add3A_595 = arith.addf %add3A_594, %mul3A_592 : vector<16xf32>
    %mul3A_596 = arith.mulf %mul3A_585, %add3A_595 : vector<16xf32>
    %add3A_597 = arith.constant 0.333333343 : f32
    %add3A_598 = vector.broadcast %add3A_597 : f32 to vector<16xf32>
    %add3A_599 = arith.addf %add3A_598, %mul3A_596 : vector<16xf32>
    %mul3A_600 = arith.mulf %mul3A_585, %add3A_599 : vector<16xf32>
    %add3A_601 = arith.constant 1.000000e+00 : f32
    %add3A_602 = vector.broadcast %add3A_601 : f32 to vector<16xf32>
    %add3A_603 = arith.addf %add3A_602, %mul3A_600 : vector<16xf32>
    %convert_element_type3A_604 = arith.sitofp %sub3A_570 : vector<16xi32> to vector<16xf32>
    %mul3A_605 = arith.constant 0.693147182 : f32
    %mul3A_606 = vector.broadcast %mul3A_605 : f32 to vector<16xf32>
    %mul3A_607 = arith.mulf %convert_element_type3A_604, %mul3A_606 : vector<16xf32>
    %mul3A_608 = arith.constant 2.000000e+00 : f32
    %mul3A_609 = vector.broadcast %mul3A_608 : f32 to vector<16xf32>
    %mul3A_610 = arith.mulf %mul3A_609, %div3A_584 : vector<16xf32>
    %mul3A_611 = arith.mulf %mul3A_610, %add3A_603 : vector<16xf32>
    %add3A_612 = arith.addf %mul3A_607, %mul3A_611 : vector<16xf32>
    %neg3A_613 = arith.constant 0.000000e+00 : f32
    %neg3A_614 = vector.broadcast %neg3A_613 : f32 to vector<16xf32>
    %neg3A_615 = arith.subf %neg3A_614, %add3A_612 : vector<16xf32>
    %eq3A_616 = arith.constant -100 : i32
    %eq3A_617 = vector.broadcast %eq3A_616 : i32 to vector<16xi32>
    %eq3A_618 = arith.cmpi eq, %get3A_541, %eq3A_617 : vector<16xi32>
    %jit3A_619 = arith.constant 0.000000e+00 : f32
    %broadcast_in_dim3A_620 = vector.broadcast %jit3A_619 : f32 to vector<16xf32>
    %select_n3A_621 = arith.select %eq3A_618, %broadcast_in_dim3A_620, %neg3A_615 : vector<16xi1>, vector<16xf32>
    %swap3A_622 = arith.constant 80 : index
    %swap3A_623 = tpu.vector_load %arg11[%swap3A_622] {strides = array<i32>} : memref<128xf32, #tpu.memory_space<vmem>>, vector<16xf32>,
    tpu.vector_store %arg11[%swap3A_622], %select_n3A_621 {strides = array<i32>} : memref<128xf32, #tpu.memory_space<vmem>>, vector<16xf32>,
    %iota3A_624 = tpu.iota {dimensions = array<i32: 0>} : vector<16xi32>
    %add3A_625 = arith.constant 96 : i32
    %add3A_626 = vector.broadcast %add3A_625 : i32 to vector<16xi32>
    %add3A_627 = arith.addi %iota3A_624, %add3A_626 : vector<16xi32>
    %get3A_628 = arith.constant 96 : index
    %get3A_629 = tpu.vector_load %arg6[%get3A_628] {strides = array<i32>} : memref<128xi32, #tpu.memory_space<vmem>>, vector<16xi32>,
    %get3A_630 = arith.constant 96 : index
    %get3A_631 = tpu.vector_load %arg7[%get3A_630] {strides = array<i32>} : memref<128xi32, #tpu.memory_space<vmem>>, vector<16xi32>,
    %gather3A_632 = tpu.vector_load_idx %arg9[%add3A_627, %add3A_627] : memref<128x128xf32, #tpu.memory_space<vmem>>[vector<16xi32>, vector<16xi32>], vector<16xf32>,
    %gather3A_633 = tpu.vector_load_idx %arg10[%add3A_627, %add3A_627] : memref<128x128xf32, #tpu.memory_space<vmem>>[vector<16xi32>, vector<16xi32>], vector<16xf32>,
    %eq3A_634 = arith.constant 0 : i32
    %eq3A_635 = vector.broadcast %eq3A_634 : i32 to vector<16xi32>
    %eq3A_636 = arith.cmpi eq, %get3A_631, %eq3A_635 : vector<16xi32>
    %jit3A_637 = arith.constant 0.000000e+00 : f32
    %broadcast_in_dim3A_638 = vector.broadcast %jit3A_637 : f32 to vector<16xf32>
    %select_n3A_639 = arith.select %eq3A_636, %broadcast_in_dim3A_638, %gather3A_633 : vector<16xi1>, vector<16xf32>
    %add3A_640 = arith.constant 9.99999968E-21 : f32
    %add3A_641 = vector.broadcast %add3A_640 : f32 to vector<16xf32>
    %add3A_642 = arith.addf %select_n3A_639, %add3A_641 : vector<16xf32>
    %eq3A_643 = arith.constant 0 : i32
    %eq3A_644 = vector.broadcast %eq3A_643 : i32 to vector<16xi32>
    %eq3A_645 = arith.cmpi eq, %get3A_631, %eq3A_644 : vector<16xi32>
    %ne3A_646 = arith.constant 0 : i32
    %ne3A_647 = vector.broadcast %ne3A_646 : i32 to vector<16xi32>
    %ne3A_648 = arith.cmpi ne, %get3A_629, %ne3A_647 : vector<16xi32>
    %or3A_649 = arith.ori %eq3A_645, %ne3A_648 : vector<16xi1>
    %add3A_650 = arith.addf %add3A_642, %gather3A_632 : vector<16xf32>
    %select_n3A_651 = arith.select %or3A_649, %add3A_650, %add3A_642 : vector<16xi1>, vector<16xf32>
    %bitcast3A_652 = vector.bitcast %select_n3A_651 : vector<16xf32> to vector<16xi32>
    %shift_right_arithmetic3A_653 = arith.constant 23 : i32
    %shift_right_arithmetic3A_654 = vector.broadcast %shift_right_arithmetic3A_653 : i32 to vector<16xi32>
    %shift_right_arithmetic3A_655 = arith.shrsi %bitcast3A_652, %shift_right_arithmetic3A_654 : vector<16xi32>
    %sub3A_656 = arith.constant 127 : i32
    %sub3A_657 = vector.broadcast %sub3A_656 : i32 to vector<16xi32>
    %sub3A_658 = arith.subi %shift_right_arithmetic3A_655, %sub3A_657 : vector<16xi32>
    %and3A_659 = arith.constant 8388607 : i32
    %and3A_660 = vector.broadcast %and3A_659 : i32 to vector<16xi32>
    %and3A_661 = arith.andi %bitcast3A_652, %and3A_660 : vector<16xi32>
    %or3A_662 = arith.constant 1065353216 : i32
    %or3A_663 = vector.broadcast %or3A_662 : i32 to vector<16xi32>
    %or3A_664 = arith.ori %and3A_661, %or3A_663 : vector<16xi32>
    %bitcast3A_665 = vector.bitcast %or3A_664 : vector<16xi32> to vector<16xf32>
    %sub3A_666 = arith.constant 1.000000e+00 : f32
    %sub3A_667 = vector.broadcast %sub3A_666 : f32 to vector<16xf32>
    %sub3A_668 = arith.subf %bitcast3A_665, %sub3A_667 : vector<16xf32>
    %add3A_669 = arith.constant 1.000000e+00 : f32
    %add3A_670 = vector.broadcast %add3A_669 : f32 to vector<16xf32>
    %add3A_671 = arith.addf %bitcast3A_665, %add3A_670 : vector<16xf32>
    %div3A_672 = arith.divf %sub3A_668, %add3A_671 : vector<16xf32>
    %mul3A_673 = arith.mulf %div3A_672, %div3A_672 : vector<16xf32>
    %mul3A_674 = arith.constant 0.111111112 : f32
    %mul3A_675 = vector.broadcast %mul3A_674 : f32 to vector<16xf32>
    %mul3A_676 = arith.mulf %mul3A_673, %mul3A_675 : vector<16xf32>
    %add3A_677 = arith.constant 0.142857149 : f32
    %add3A_678 = vector.broadcast %add3A_677 : f32 to vector<16xf32>
    %add3A_679 = arith.addf %add3A_678, %mul3A_676 : vector<16xf32>
    %mul3A_680 = arith.mulf %mul3A_673, %add3A_679 : vector<16xf32>
    %add3A_681 = arith.constant 2.000000e-01 : f32
    %add3A_682 = vector.broadcast %add3A_681 : f32 to vector<16xf32>
    %add3A_683 = arith.addf %add3A_682, %mul3A_680 : vector<16xf32>
    %mul3A_684 = arith.mulf %mul3A_673, %add3A_683 : vector<16xf32>
    %add3A_685 = arith.constant 0.333333343 : f32
    %add3A_686 = vector.broadcast %add3A_685 : f32 to vector<16xf32>
    %add3A_687 = arith.addf %add3A_686, %mul3A_684 : vector<16xf32>
    %mul3A_688 = arith.mulf %mul3A_673, %add3A_687 : vector<16xf32>
    %add3A_689 = arith.constant 1.000000e+00 : f32
    %add3A_690 = vector.broadcast %add3A_689 : f32 to vector<16xf32>
    %add3A_691 = arith.addf %add3A_690, %mul3A_688 : vector<16xf32>
    %convert_element_type3A_692 = arith.sitofp %sub3A_658 : vector<16xi32> to vector<16xf32>
    %mul3A_693 = arith.constant 0.693147182 : f32
    %mul3A_694 = vector.broadcast %mul3A_693 : f32 to vector<16xf32>
    %mul3A_695 = arith.mulf %convert_element_type3A_692, %mul3A_694 : vector<16xf32>
    %mul3A_696 = arith.constant 2.000000e+00 : f32
    %mul3A_697 = vector.broadcast %mul3A_696 : f32 to vector<16xf32>
    %mul3A_698 = arith.mulf %mul3A_697, %div3A_672 : vector<16xf32>
    %mul3A_699 = arith.mulf %mul3A_698, %add3A_691 : vector<16xf32>
    %add3A_700 = arith.addf %mul3A_695, %mul3A_699 : vector<16xf32>
    %neg3A_701 = arith.constant 0.000000e+00 : f32
    %neg3A_702 = vector.broadcast %neg3A_701 : f32 to vector<16xf32>
    %neg3A_703 = arith.subf %neg3A_702, %add3A_700 : vector<16xf32>
    %eq3A_704 = arith.constant -100 : i32
    %eq3A_705 = vector.broadcast %eq3A_704 : i32 to vector<16xi32>
    %eq3A_706 = arith.cmpi eq, %get3A_629, %eq3A_705 : vector<16xi32>
    %jit3A_707 = arith.constant 0.000000e+00 : f32
    %broadcast_in_dim3A_708 = vector.broadcast %jit3A_707 : f32 to vector<16xf32>
    %select_n3A_709 = arith.select %eq3A_706, %broadcast_in_dim3A_708, %neg3A_703 : vector<16xi1>, vector<16xf32>
    %swap3A_710 = arith.constant 96 : index
    %swap3A_711 = tpu.vector_load %arg11[%swap3A_710] {strides = array<i32>} : memref<128xf32, #tpu.memory_space<vmem>>, vector<16xf32>,
    tpu.vector_store %arg11[%swap3A_710], %select_n3A_709 {strides = array<i32>} : memref<128xf32, #tpu.memory_space<vmem>>, vector<16xf32>,
    %iota3A_712 = tpu.iota {dimensions = array<i32: 0>} : vector<16xi32>
    %add3A_713 = arith.constant 112 : i32
    %add3A_714 = vector.broadcast %add3A_713 : i32 to vector<16xi32>
    %add3A_715 = arith.addi %iota3A_712, %add3A_714 : vector<16xi32>
    %get3A_716 = arith.constant 112 : index
    %get3A_717 = tpu.vector_load %arg6[%get3A_716] {strides = array<i32>} : memref<128xi32, #tpu.memory_space<vmem>>, vector<16xi32>,
    %get3A_718 = arith.constant 112 : index
    %get3A_719 = tpu.vector_load %arg7[%get3A_718] {strides = array<i32>} : memref<128xi32, #tpu.memory_space<vmem>>, vector<16xi32>,
    %gather3A_720 = tpu.vector_load_idx %arg9[%add3A_715, %add3A_715] : memref<128x128xf32, #tpu.memory_space<vmem>>[vector<16xi32>, vector<16xi32>], vector<16xf32>,
    %gather3A_721 = tpu.vector_load_idx %arg10[%add3A_715, %add3A_715] : memref<128x128xf32, #tpu.memory_space<vmem>>[vector<16xi32>, vector<16xi32>], vector<16xf32>,
    %eq3A_722 = arith.constant 0 : i32
    %eq3A_723 = vector.broadcast %eq3A_722 : i32 to vector<16xi32>
    %eq3A_724 = arith.cmpi eq, %get3A_719, %eq3A_723 : vector<16xi32>
    %jit3A_725 = arith.constant 0.000000e+00 : f32
    %broadcast_in_dim3A_726 = vector.broadcast %jit3A_725 : f32 to vector<16xf32>
    %select_n3A_727 = arith.select %eq3A_724, %broadcast_in_dim3A_726, %gather3A_721 : vector<16xi1>, vector<16xf32>
    %add3A_728 = arith.constant 9.99999968E-21 : f32
    %add3A_729 = vector.broadcast %add3A_728 : f32 to vector<16xf32>
    %add3A_730 = arith.addf %select_n3A_727, %add3A_729 : vector<16xf32>
    %eq3A_731 = arith.constant 0 : i32
    %eq3A_732 = vector.broadcast %eq3A_731 : i32 to vector<16xi32>
    %eq3A_733 = arith.cmpi eq, %get3A_719, %eq3A_732 : vector<16xi32>
    %ne3A_734 = arith.constant 0 : i32
    %ne3A_735 = vector.broadcast %ne3A_734 : i32 to vector<16xi32>
    %ne3A_736 = arith.cmpi ne, %get3A_717, %ne3A_735 : vector<16xi32>
    %or3A_737 = arith.ori %eq3A_733, %ne3A_736 : vector<16xi1>
    %add3A_738 = arith.addf %add3A_730, %gather3A_720 : vector<16xf32>
    %select_n3A_739 = arith.select %or3A_737, %add3A_738, %add3A_730 : vector<16xi1>, vector<16xf32>
    %bitcast3A_740 = vector.bitcast %select_n3A_739 : vector<16xf32> to vector<16xi32>
    %shift_right_arithmetic3A_741 = arith.constant 23 : i32
    %shift_right_arithmetic3A_742 = vector.broadcast %shift_right_arithmetic3A_741 : i32 to vector<16xi32>
    %shift_right_arithmetic3A_743 = arith.shrsi %bitcast3A_740, %shift_right_arithmetic3A_742 : vector<16xi32>
    %sub3A_744 = arith.constant 127 : i32
    %sub3A_745 = vector.broadcast %sub3A_744 : i32 to vector<16xi32>
    %sub3A_746 = arith.subi %shift_right_arithmetic3A_743, %sub3A_745 : vector<16xi32>
    %and3A_747 = arith.constant 8388607 : i32
    %and3A_748 = vector.broadcast %and3A_747 : i32 to vector<16xi32>
    %and3A_749 = arith.andi %bitcast3A_740, %and3A_748 : vector<16xi32>
    %or3A_750 = arith.constant 1065353216 : i32
    %or3A_751 = vector.broadcast %or3A_750 : i32 to vector<16xi32>
    %or3A_752 = arith.ori %and3A_749, %or3A_751 : vector<16xi32>
    %bitcast3A_753 = vector.bitcast %or3A_752 : vector<16xi32> to vector<16xf32>
    %sub3A_754 = arith.constant 1.000000e+00 : f32
    %sub3A_755 = vector.broadcast %sub3A_754 : f32 to vector<16xf32>
    %sub3A_756 = arith.subf %bitcast3A_753, %sub3A_755 : vector<16xf32>
    %add3A_757 = arith.constant 1.000000e+00 : f32
    %add3A_758 = vector.broadcast %add3A_757 : f32 to vector<16xf32>
    %add3A_759 = arith.addf %bitcast3A_753, %add3A_758 : vector<16xf32>
    %div3A_760 = arith.divf %sub3A_756, %add3A_759 : vector<16xf32>
    %mul3A_761 = arith.mulf %div3A_760, %div3A_760 : vector<16xf32>
    %mul3A_762 = arith.constant 0.111111112 : f32
    %mul3A_763 = vector.broadcast %mul3A_762 : f32 to vector<16xf32>
    %mul3A_764 = arith.mulf %mul3A_761, %mul3A_763 : vector<16xf32>
    %add3A_765 = arith.constant 0.142857149 : f32
    %add3A_766 = vector.broadcast %add3A_765 : f32 to vector<16xf32>
    %add3A_767 = arith.addf %add3A_766, %mul3A_764 : vector<16xf32>
    %mul3A_768 = arith.mulf %mul3A_761, %add3A_767 : vector<16xf32>
    %add3A_769 = arith.constant 2.000000e-01 : f32
    %add3A_770 = vector.broadcast %add3A_769 : f32 to vector<16xf32>
    %add3A_771 = arith.addf %add3A_770, %mul3A_768 : vector<16xf32>
    %mul3A_772 = arith.mulf %mul3A_761, %add3A_771 : vector<16xf32>
    %add3A_773 = arith.constant 0.333333343 : f32
    %add3A_774 = vector.broadcast %add3A_773 : f32 to vector<16xf32>
    %add3A_775 = arith.addf %add3A_774, %mul3A_772 : vector<16xf32>
    %mul3A_776 = arith.mulf %mul3A_761, %add3A_775 : vector<16xf32>
    %add3A_777 = arith.constant 1.000000e+00 : f32
    %add3A_778 = vector.broadcast %add3A_777 : f32 to vector<16xf32>
    %add3A_779 = arith.addf %add3A_778, %mul3A_776 : vector<16xf32>
    %convert_element_type3A_780 = arith.sitofp %sub3A_746 : vector<16xi32> to vector<16xf32>
    %mul3A_781 = arith.constant 0.693147182 : f32
    %mul3A_782 = vector.broadcast %mul3A_781 : f32 to vector<16xf32>
    %mul3A_783 = arith.mulf %convert_element_type3A_780, %mul3A_782 : vector<16xf32>
    %mul3A_784 = arith.constant 2.000000e+00 : f32
    %mul3A_785 = vector.broadcast %mul3A_784 : f32 to vector<16xf32>
    %mul3A_786 = arith.mulf %mul3A_785, %div3A_760 : vector<16xf32>
    %mul3A_787 = arith.mulf %mul3A_786, %add3A_779 : vector<16xf32>
    %add3A_788 = arith.addf %mul3A_783, %mul3A_787 : vector<16xf32>
    %neg3A_789 = arith.constant 0.000000e+00 : f32
    %neg3A_790 = vector.broadcast %neg3A_789 : f32 to vector<16xf32>
    %neg3A_791 = arith.subf %neg3A_790, %add3A_788 : vector<16xf32>
    %eq3A_792 = arith.constant -100 : i32
    %eq3A_793 = vector.broadcast %eq3A_792 : i32 to vector<16xi32>
    %eq3A_794 = arith.cmpi eq, %get3A_717, %eq3A_793 : vector<16xi32>
    %jit3A_795 = arith.constant 0.000000e+00 : f32
    %broadcast_in_dim3A_796 = vector.broadcast %jit3A_795 : f32 to vector<16xf32>
    %select_n3A_797 = arith.select %eq3A_794, %broadcast_in_dim3A_796, %neg3A_791 : vector<16xi1>, vector<16xf32>
    %swap3A_798 = arith.constant 112 : index
    %swap3A_799 = tpu.vector_load %arg11[%swap3A_798] {strides = array<i32>} : memref<128xf32, #tpu.memory_space<vmem>>, vector<16xf32>,
    tpu.vector_store %arg11[%swap3A_798], %select_n3A_797 {strides = array<i32>} : memref<128xf32, #tpu.memory_space<vmem>>, vector<16xf32>,
    "tpu.region"() ({
      %run_scoped3A = tpu.sem_alloc : memref<!tpu.dma_semaphore, #tpu.memory_space<semaphore_mem>>
      %dma_start3A_800 = tpu.memref_slice %arg5[%multiple_of3A] : memref<4096xf32, #tpu.memory_space<hbm>> -> memref<128xf32, #tpu.memory_space<hbm>>
      %dma_start3A_801 = tpu.memref_slice %arg5[%multiple_of3A] : memref<4096xf32, #tpu.memory_space<hbm>> -> memref<128xf32, #tpu.memory_space<hbm>>
      tpu.enqueue_dma source(%arg11 : memref<128xf32, #tpu.memory_space<vmem>>) target(%dma_start3A_801 : memref<128xf32, #tpu.memory_space<hbm>>) target_semaphore(%run_scoped3A : memref<!tpu.dma_semaphore, #tpu.memory_space<semaphore_mem>>)
      %dma_wait3A_802 = tpu.memref_slice %arg5[%multiple_of3A] : memref<4096xf32, #tpu.memory_space<hbm>> -> memref<128xf32, #tpu.memory_space<hbm>>
      %dma_wait3A_803 = tpu.memref_slice %arg5[%multiple_of3A] : memref<4096xf32, #tpu.memory_space<hbm>> -> memref<128xf32, #tpu.memory_space<hbm>>
      tpu.wait_dma2 semaphore(%run_scoped3A : memref<!tpu.dma_semaphore, #tpu.memory_space<semaphore_mem>>) src(%arg11 : memref<128xf32, #tpu.memory_space<vmem>>) dst(%dma_wait3A_803 : memref<128xf32, #tpu.memory_space<hbm>>)
      tpu.yield
    }) : () -> ()
    return
  }
}

</mosaic_0001>

<sc_bundles>
// kernel: kernel.3.cloned.1.call-start
scs
__scs_entry_jumppad:
0x0: {  	(pc) =	sbr.rel $0x88, $3  }
0x1: {  	(tag) =	ssettag $0x0;
	lr =	simm.s32 $0x1  }
0x2: {  	[smem:$0x3F9E] =	sst lr;
	_ =	strace $0xD0000000  }
0x3: {  	_ = 	snop  }
0x4: {  	_ = 	snop  }
0x5: {  	_ = 	snop  }
0x6: {  	_ = 	snop  }
0x7: {  	_ = 	snop  }
__scs_overlays_trampoline_lowered:
0x8: {  	[smem:$0x3FAD] =	sst s0  }
0x9: {  	[smem:$0x3FAE] =	sst s1  }
0xa: {  	[smem:$0x3FAF] =	sst s2  }
0xb: {  	[smem:$0x3FB0] =	sst s3  }
0xc: {  	[smem:$0x3FB1] =	sst s4  }
0xd: {  	[smem:$0x3FB2] =	sst s5  }
0xe: {  	[smem:$0x3FB3] =	sst s6  }
0xf: {  	[smem:$0x3FB4] =	sst s7  }
0x10: {  	[smem:$0x3FB5] =	sst s8  }
0x11: {  	[smem:$0x3FB6] =	sst s9;
	s0 =	simm.s32 @!p0 $0x0  }
0x12: {  	s1 =	sld [smem:$0x3F9C];
	s0 =	simm.s32 @p0 $0x1  }
0x13: {  	[smem:$0x3FB7] =	sst s0;
	s0 =	simm.s32 @!p1 $0x0  }
0x14: {  	s2 =	sld [smem:$0x3F9B];
	s0 =	simm.s32 @p1 $0x1  }
0x15: {  	[smem:$0x3FB8] =	sst s0;
	s0 =	simm.s32 @!p2 $0x0  }
0x16: {  	s3 =	sld [smem:$0x3FDB];
	s0 =	simm.s32 @p2 $0x1  }
0x17: {  	s4 =	simm.s32 $0x1BF5;
	[smem:$0x3FBA] =	sst s0  }
0x18: {  	s0 =	sld [smem:$0x3F9D];
	_ =	swait.ge [sflag:s4], $0x0  }
0x19: {  	s7 =	sld [smem:$0x3F9E]  }
0x1a: {  	s8 =	sadd.s32 $0xFFFFE003, lr  }
0x1b: {  	s9 =	sadd.s32 $0xFFFFFEF7, lr;
	s5 =	simm.s32 $0xFFFFFFFF;
	p2 =	slt.u32 s8, $0xFFFFF086  }
0x1c: {  	p1 =	slt.u32 s9, $0xF7A;
	s5 =	simm.s32 @!p2 $0x0  }
0x1d: {  	s5 =	simm.s32 @p1 $0x1;
	p0 =	seq.s32 s7, s2  }
0x1e: {  	s7 =	smul.u32 @!p0 $0xF7A, s2;
	p2 =	seq.s32 @!p0 s5, $0x0  }
0x1f: {  	s9 =	smul.u32 $0xF7A, s1;
	s8 =	simm.s32 @!p0 $0x1BF5;
	p2 =	por !p2, p0  }
0x20: {  	[sflag:s8] =	ssyncset.s32 @!p0 $0xFFFFF086;
	s6 =	sadd.s32 @!p0 s3, s7;
	s7 =	simm.s32 @!p0 $0x108  }
0x21: {  	s3 =	sadd.s32 s3, s9;
	s6 =	sadd.s32 @!p0 $0x88, s6;
	s7 =	simm.s32 @p2 $0x1082  }
0x22: {  	[simem:s7], [sflag:s8] =	dma.local @!p0 [hbm:s6], $0xF7A  }
0x23: {  	s9 =	sor.u32 $0xD0000000, s2;
	s6 =	simm.s32 $0x108;
	_ =	swait.ge @!p0 [sflag:s8], $0x0  }
0x24: {  	s3 =	sadd.s32 $0x88, s3;
	s6 =	simm.s32 @!p1 $0x1082;
	[sflag:s4] =	ssyncset.s32 $0xFFFFF086  }
0x25: {  	[simem:s6], [sflag:s4] =	dma.local [hbm:s3], $0xF7A  }
0x26: {  	[smem:$0x3F9E] =	sst s1;
	(tag) =	ssettag s2;
	_ =	strace s9  }
0x27: {  	s1 =	sld [smem:$0x3FAE]  }
0x28: {  	s2 =	sld [smem:$0x3FAF]  }
0x29: {  	s4 =	sld [smem:$0x3FB1]  }
0x2a: {  	p0 =	seq.s32 s5, $0x0;
	s5 =	sld [smem:$0x3FB2]  }
0x2b: {  	s6 =	sld [smem:$0x3FB3]  }
0x2c: {  	s7 =	sld [smem:$0x3FB4]  }
0x2d: {  	s3 =	simm.s32 $0x108;
	s8 =	sld [smem:$0x3FB5]  }
0x2e: {  	s3 =	simm.s32 @!p0 $0x1082;
	s9 =	sld [smem:$0x3FB6]  }
0x2f: {  	lr =	sadd.s32 s0, s3;
	s0 =	sld [smem:$0x3FAD]  }
0x30: {  	s3 =	sld [smem:$0x3FB0]  }
0x31: {  	[smem:$0x3FB9] =	sst s10  }
0x32: {  	s10 =	sld [smem:$0x3FB7];
	_ =	sdelay $0x3  }
0x33: {  	p0 =	seq.s32 s10, $0x1;
	s10 =	sld [smem:$0x3FB9];
	_ =	sdelay $0x3  }
0x34: {  	[smem:$0x3FB9] =	sst s10  }
0x35: {  	s10 =	sld [smem:$0x3FB8];
	_ =	sdelay $0x3  }
0x36: {  	p1 =	seq.s32 s10, $0x1;
	s10 =	sld [smem:$0x3FB9];
	_ =	sdelay $0x3  }
0x37: {  	[smem:$0x3FB9] =	sst s10  }
0x38: {  	s10 =	sld [smem:$0x3FBA]  }
0x39: {  	_ = 	snop;
	(pc) =	sbr.ind lr, $3  }
0x3a: {  	_ = 	snop  }
0x3b: {  	_ = 	snop  }
0x3c: {  	p2 =	seq.s32 s10, $0x1;
	s10 =	sld [smem:$0x3FB9]  }
0x3d: {  	_ =	shalt  }
0x3e: {  	_ =	shalt  }
0x3f: {  	_ =	shalt  }
0x40: {  	_ =	shalt  }
0x41: {  	_ =	shalt  }
0x42: {  	_ =	shalt  }
0x43: {  	_ =	shalt  }
0x44: {  	_ =	shalt  }
0x45: {  	_ =	shalt  }
0x46: {  	_ =	shalt  }
0x47: {  	_ =	shalt  }
0x48: {  	_ =	shalt  }
0x49: {  	_ =	shalt  }
0x4a: {  	_ =	shalt  }
0x4b: {  	_ =	shalt  }
0x4c: {  	_ =	shalt  }
0x4d: {  	_ =	shalt  }
0x4e: {  	_ =	shalt  }
0x4f: {  	_ =	shalt  }
0x50: {  	_ =	shalt  }
0x51: {  	_ =	shalt  }
0x52: {  	_ =	shalt  }
0x53: {  	_ =	shalt  }
0x54: {  	_ =	shalt  }
0x55: {  	_ =	shalt  }
0x56: {  	_ =	shalt  }
0x57: {  	_ =	shalt  }
0x58: {  	_ =	shalt  }
0x59: {  	_ =	shalt  }
0x5a: {  	_ =	shalt  }
0x5b: {  	_ =	shalt  }
0x5c: {  	_ =	shalt  }
0x5d: {  	_ =	shalt  }
0x5e: {  	_ =	shalt  }
0x5f: {  	_ =	shalt  }
0x60: {  	_ =	shalt  }
0x61: {  	_ =	shalt  }
0x62: {  	_ =	shalt  }
0x63: {  	_ =	shalt  }
0x64: {  	_ =	shalt  }
0x65: {  	_ =	shalt  }
0x66: {  	_ =	shalt  }
0x67: {  	_ =	shalt  }
0x68: {  	_ =	shalt  }
0x69: {  	_ =	shalt  }
0x6a: {  	_ =	shalt  }
0x6b: {  	_ =	shalt  }
0x6c: {  	_ =	shalt  }
0x6d: {  	_ =	shalt  }
0x6e: {  	_ =	shalt  }
0x6f: {  	_ =	shalt  }
0x70: {  	_ =	shalt  }
0x71: {  	_ =	shalt  }
0x72: {  	_ =	shalt  }
0x73: {  	_ =	shalt  }
0x74: {  	_ =	shalt  }
0x75: {  	_ =	shalt  }
0x76: {  	_ =	shalt  }
0x77: {  	_ =	shalt  }
0x78: {  	_ =	shalt  }
0x79: {  	_ =	shalt  }
0x7a: {  	_ =	shalt  }
0x7b: {  	_ =	shalt  }
0x7c: {  	_ =	shalt  }
0x7d: {  	_ =	shalt  }
0x7e: {  	_ =	shalt  }
0x7f: {  	_ =	shalt  }
0x80: {  	_ =	shalt  }
0x81: {  	_ =	shalt  }
0x82: {  	_ =	shalt  }
0x83: {  	_ =	shalt  }
0x84: {  	_ =	shalt  }
0x85: {  	_ =	shalt  }
0x86: {  	_ =	shalt  }
0x87: {  	_ =	shalt  }
.Lfunc_end0:
.L_simem_size_0:
called_computation_lowered:
.L_overlay_start_0:
0x88: {  	s2 =	sld [smem:$0x3FD9]  }
0x89: {  	s3 =	sld [smem:$0x3FFE];
	_ =	sdelay $0x1  }
0x8a: {  	s1 =	srdreg.scid  }
0x8b: {  	s0 =	sand.u32 $0x1, s1  }
0x8c: {  	s18 =	sshll.u32 s0, $0xA;
	s2 =	sadd.s32 s3, s2  }
0x8d: {  	s2 =	sadd.s32 s2, s18  }
0x8e: {  	[smem:$0x3FC5] =	sst s2  }
0x8f: {  	_ = 	snop  }
0x90: {  	s2 =	sld [smem:$0x3FC9]  }
0x91: {  	s19 =	sld [smem:$0x3FC8]  }
0x92: {  	s4 =	sld [smem:$0x3FC7]  }
0x93: {  	s5 =	sld [smem:$0x3FD0];
	(tm) =	ssettm $0x1  }
0x94: {  	s6 =	sld [smem:$0x3FFB];
	_ =	sdelay $0x3  }
0x95: {  	_ =	strace s6  }
0x96: {  	s6 =	sld [smem:$0x3FFC];
	_ =	sdelay $0x3  }
0x97: {  	_ =	strace s6  }
0x98: {  	s6 =	sld [smem:$0x3FFD];
	_ =	sdelay $0x3  }
0x99: {  	_ =	strace s6  }
0x9a: {  	_ =	strace $0x8FFFFFFF  }
0x9b: {  	s20 =	sld [smem:$0x3FDB];
	_ =	sdelay $0x1  }
0x9c: {  	s7 =	simm.s32 $_scs_section_size  }
0x9d: {  	s8 =	simm.s32 $_size__tile_overlayer_lowered;
	s9 =	simm.s32 $_tile_overlayer_lowered  }
0x9e: {  	s23 =	simm.s32 $0x1BFF;
	s22 =	sshll.u32 s9, $0x1;
	s6 =	sadd.s32 s7, s20  }
0x9f: {  	s10 =	simm.s32 $0x0;
	s21 =	sshll.u32 s8, $0x1;
	s8 =	sadd.s32 s22, s6  }
0xa0: {  	[timem:s10], [sflag:s23] =	dma.local [hbm:s8], s21  }
0xa1: {  	_ =	swait.ge [sflag:s23], s21  }
0xa2: {  	s7 =	ssub.s32 $0x0, s21;
	[sflag:s23] =	ssyncset.done $0x0  }
0xa3: {  	[sflag:s23] =	ssyncadd.s32 s7;
	_ =	sdelay $0x1  }
0xa4: {  	s24 =	simm.s32 $0x1B8B  }
0xa5: {  	_ =	swait.ge [sflag:s24], $0x1  }
0xa6: {  	[sflag:s24] =	ssyncset.done $0x0  }
0xa7: {  	s25 =	simm.s32 $0x1B8E;
	[sflag:s24] =	ssyncadd.s32 $0xFFFFFFFF  }
0xa8: {  	s26 =	simm.s32 $execute0_lowered;
	[smem:$0x3FD2] =	sst s25  }
0xa9: {  	s7 =	sshll.u32 s26, $0x1;
	_ =	strace $0x80000046;
	[dreg:$0x1] =	wrdreg $0xFFFFFFFF  }
0xaa: {  	s28 =	simm.s32 $_size_execute0_lowered;
	s6 =	sadd.s32 s6, s7;
	[dreg:$0x0] =	wrdreg $0x0  }
0xab: {  	s7 =	sshll.u32 s28, $0x1;
	[dreg:$0x2] =	wrdreg s6  }
0xac: {  	[dreg:$0x3] =	wrdreg s7  }
0xad: {  	[dreg:$0x4] =	wrdreg $0xC0  }
0xae: {  	_ =	task [dreg:s10], $0x5FFFF  }
0xaf: {  	[dreg:$0x1] =	wrdreg $0xFFFFFFFF  }
0xb0: {  	[dreg:$0x0] =	wrdreg $0x60  }
0xb1: {  	[dreg:$0x2] =	wrdreg s2  }
0xb2: {  	[dreg:$0x3] =	wrdreg s19  }
0xb3: {  	[dreg:$0x4] =	wrdreg s4  }
0xb4: {  	[dreg:$0x5] =	wrdreg s5  }
0xb5: {  	[dreg:$0x6] =	wrdreg $0x9  }
0xb6: {  	_ =	task.clear_ibuf [dreg:s10], $0x7FFFF;
	_ =	strace $0x90000046  }
0xb7: {  	s29 =	simm.s32 $0x9;
	_ =	strace $0x80000048  }
0xb8: {  	_ =	swait.ge [sflag:s29], $0x1  }
0xb9: {  	[sflag:s29] =	ssyncadd.s32 $0xFFFFFFFF  }
0xba: {  	_ =	strace $0x90000048  }
0xbb: {  	_ =	sfence  }
0xbc: {  	s30 =	sld [smem:$0x0];
	_ =	sdelay $0x2  }
0xbd: {  	s31 =	sshll.u32 s1, $0xD;
	s1 =	sshrl.u32 s1, $0x2  }
0xbe: {  	s3 =	sand.u32 $0x4000, s31;
	s1 =	sadd.s32 s1, s30  }
0xbf: {  	s0 =	sor.u32 s3, s0;
	s1 =	sshll.u32 s1, $0x11  }
0xc0: {  	s0 =	sor.u32 s1, s0  }
0xc1: {  	s0 =	sadd.s32 $0x8F2B, s0  }
0xc2: {  	[sflag:s0] =	ssyncadd.remote.s32 $0x1  }
0xc3: {  	_ =	sfence.sel $0xFFFF  }
0xc4: {  	[dreg:$0x0] =	wrdreg $0xFFFFFFFF;
	(pc) =	sbr.abs _section_cstart, $3  }
0xc5: {  	[dreg:$0x1] =	wrdreg $0xFFFFFFFF  }
0xc6: {  	_ =	task.clear_ibuf [dreg:s10], $0x2FFFF;
	_ =	strace $0x9FFFFFFF  }
0xc7: {  	(tm) =	ssettm $0x7FFFFFFF  }
tec
execute0_lowered:
.L_overlay_start_1:
0x0: {  	(tag) =	ssettag $0x1  }
0x1: {  	s1 =	rddreg [dreg:$0x0]  }
0x2: {  	s5 =	rddreg [dreg:$0x1]  }
0x3: {  	s6 =	rddreg [dreg:$0x2];
	s2 =	srdreg.scid  }
0x4: {  	s7 =	rddreg [dreg:$0x3];
	s4 =	sand.u32 $0x1, s2;
	s2 =	simm.s32 $0x0  }
0x5: {  	s10 =	simm.s32 $0x200;
	[smem:$0x7FF] =	sst s2  }
0x6: {  	s11 =	simm.s32 $0x280;
	_ =	strace $0x80000047;
	[dreg:$0x8] =	wrdreg s10  }
0x7: {  	s12 =	simm.s32 $0x300;
	[dreg:$0x9] =	wrdreg s11  }
0x8: {  	s13 =	simm.s32 $0x380;
	[dreg:$0xa] =	wrdreg s12  }
0x9: {  	s14 =	simm.s32 $0x400;
	[dreg:$0xb] =	wrdreg s13  }
0xa: {  	s15 =	simm.s32 $0x480;
	[dreg:$0xc] =	wrdreg s14  }
0xb: {  	s16 =	simm.s32 $0x500;
	[dreg:$0xd] =	wrdreg s15  }
0xc: {  	s17 =	simm.s32 $0x580;
	[dreg:$0xe] =	wrdreg s16  }
0xd: {  	s18 =	simm.s32 $0x600;
	[dreg:$0xf] =	wrdreg s17  }
0xe: {  	s19 =	simm.s32 $0x680;
	[dreg:$0x10] =	wrdreg s18  }
0xf: {  	s20 =	simm.s32 $0x700;
	[dreg:$0x11] =	wrdreg s19  }
0x10: {  	s21 =	simm.s32 $0x780;
	[dreg:$0x12] =	wrdreg s20  }
0x11: {  	s22 =	simm.s32 $0x800;
	[dreg:$0x13] =	wrdreg s21  }
0x12: {  	s23 =	simm.s32 $0x880;
	[dreg:$0x14] =	wrdreg s22  }
0x13: {  	s24 =	simm.s32 $0x900;
	[dreg:$0x15] =	wrdreg s23  }
0x14: {  	s25 =	simm.s32 $0x980;
	[dreg:$0x16] =	wrdreg s24  }
0x15: {  	s0 =	stileid.u32;
	s26 =	simm.s32 $0xA00;
	[dreg:$0x17] =	wrdreg s25  }
0x16: {  	s3 =	sshll.u32 s0, $0x1;
	s0 =	simm.s32 $0xA80;
	[dreg:$0x18] =	wrdreg s26  }
0x17: {  	[dreg:$0x19] =	wrdreg s0;
	s10 =	simm.s32 $0xD00  }
0x18: {  	s11 =	simm.s32 $0xD80;
	[dreg:$0x1e] =	wrdreg s10  }
0x19: {  	s12 =	simm.s32 $0xE00;
	[dreg:$0x1f] =	wrdreg s11  }
0x1a: {  	s13 =	simm.s32 $0xE80;
	[smem:$0x72A] =	sst s12  }
0x1b: {  	s14 =	simm.s32 $0xF00;
	[smem:$0x72B] =	sst s13  }
0x1c: {  	s15 =	simm.s32 $0xF80;
	[smem:$0x72C] =	sst s14  }
0x1d: {  	s16 =	simm.s32 $0x1000;
	[smem:$0x72D] =	sst s15  }
0x1e: {  	s17 =	simm.s32 $0x1080;
	[smem:$0x72E] =	sst s16  }
0x1f: {  	s18 =	simm.s32 $0x1100;
	[smem:$0x72F] =	sst s17  }
0x20: {  	s19 =	simm.s32 $0x1180;
	[smem:$0x730] =	sst s18  }
0x21: {  	s20 =	simm.s32 $0x1200;
	[smem:$0x731] =	sst s19  }
0x22: {  	s21 =	simm.s32 $0x1280;
	[smem:$0x732] =	sst s20  }
0x23: {  	s22 =	simm.s32 $0x1300;
	[smem:$0x733] =	sst s21  }
0x24: {  	s23 =	simm.s32 $0x1380;
	[smem:$0x734] =	sst s22  }
0x25: {  	s24 =	simm.s32 $0x1400;
	[smem:$0x735] =	sst s23  }
0x26: {  	s25 =	simm.s32 $0x1480;
	[smem:$0x736] =	sst s24  }
0x27: {  	s3 =	sor.u32 s4, s3;
	s26 =	simm.s32 $0x1500;
	[smem:$0x737] =	sst s25  }
0x28: {  	s8 =	sshll.u32 s3, $0x4;
	s0 =	simm.s32 $0x1580;
	[smem:$0x738] =	sst s26  }
0x29: {  	s6 =	sadd.s32 s6, s8;
	[smem:$0x739] =	sst s0  }
0x2a: {  	s5 =	sadd.s32 s5, s8;
	[dreg:$0x5] =	wrdreg s6  }
0x2b: {  	s9 =	sadd.s32 s7, s8;
	[dreg:$0x6] =	wrdreg s5  }
0x2c: {  	s7 =	simm.s32 $0xB80;
	[dreg:$0x7] =	wrdreg s9  }
0x2d: {  	s8 =	simm.s32 $0xC00;
	[dreg:$0x1b] =	wrdreg s7  }
0x2e: {  	s10 =	simm.s32 $0x1800;
	[dreg:$0x1c] =	wrdreg s8  }
0x2f: {  	s11 =	simm.s32 $0x1880;
	[smem:$0x73E] =	sst s10  }
0x30: {  	s12 =	simm.s32 $0x1900;
	[smem:$0x73F] =	sst s11  }
0x31: {  	s13 =	simm.s32 $0x1980;
	[smem:$0x740] =	sst s12  }
0x32: {  	s14 =	simm.s32 $0x1A00;
	[smem:$0x741] =	sst s13  }
0x33: {  	s15 =	simm.s32 $0x1A80;
	[smem:$0x742] =	sst s14  }
0x34: {  	s16 =	simm.s32 $0x1B00;
	[smem:$0x743] =	sst s15  }
0x35: {  	s17 =	simm.s32 $0x1B80;
	[smem:$0x744] =	sst s16  }
0x36: {  	s18 =	simm.s32 $0x1C00;
	[smem:$0x745] =	sst s17  }
0x37: {  	s19 =	simm.s32 $0x1C80;
	[smem:$0x746] =	sst s18  }
0x38: {  	s20 =	simm.s32 $0x1D00;
	[smem:$0x747] =	sst s19  }
0x39: {  	s21 =	simm.s32 $0x1D80;
	[smem:$0x748] =	sst s20  }
0x3a: {  	s22 =	simm.s32 $0x1E00;
	[smem:$0x749] =	sst s21  }
0x3b: {  	s23 =	simm.s32 $0x1E80;
	[smem:$0x74A] =	sst s22  }
0x3c: {  	s24 =	simm.s32 $0x1F00;
	[smem:$0x74B] =	sst s23  }
0x3d: {  	s25 =	simm.s32 $0x1F80;
	[smem:$0x74C] =	sst s24  }
0x3e: {  	s26 =	simm.s32 $0x2000;
	[smem:$0x74D] =	sst s25  }
0x3f: {  	s0 =	simm.s32 $0x2080;
	[smem:$0x74E] =	sst s26  }
0x40: {  	s6 =	simm.s32 $0xB00;
	[smem:$0x74F] =	sst s0  }
0x41: {  	s9 =	simm.s32 $0xC80;
	[dreg:$0x1a] =	wrdreg s6  }
0x42: {  	s7 =	simm.s32 $0x1680;
	[dreg:$0x1d] =	wrdreg s9  }
0x43: {  	s8 =	simm.s32 $0x1700;
	[smem:$0x73B] =	sst s7  }
0x44: {  	s10 =	simm.s32 $0x2300;
	[smem:$0x73C] =	sst s8  }
0x45: {  	s11 =	simm.s32 $0x2380;
	[smem:$0x754] =	sst s10  }
0x46: {  	s12 =	simm.s32 $0x2400;
	[smem:$0x755] =	sst s11  }
0x47: {  	s13 =	simm.s32 $0x2480;
	[smem:$0x756] =	sst s12  }
0x48: {  	s14 =	simm.s32 $0x2500;
	[smem:$0x757] =	sst s13  }
0x49: {  	s15 =	simm.s32 $0x2580;
	[smem:$0x758] =	sst s14  }
0x4a: {  	s16 =	simm.s32 $0x2600;
	[smem:$0x759] =	sst s15  }
0x4b: {  	s17 =	simm.s32 $0x2680;
	[smem:$0x75A] =	sst s16  }
0x4c: {  	s18 =	simm.s32 $0x2700;
	[smem:$0x75B] =	sst s17  }
0x4d: {  	s19 =	simm.s32 $0x2780;
	[smem:$0x75C] =	sst s18  }
0x4e: {  	s20 =	simm.s32 $0x2800;
	[smem:$0x75D] =	sst s19  }
0x4f: {  	s21 =	simm.s32 $0x2880;
	[smem:$0x75E] =	sst s20  }
0x50: {  	s22 =	simm.s32 $0x2900;
	[smem:$0x75F] =	sst s21  }
0x51: {  	s23 =	simm.s32 $0x2980;
	[smem:$0x760] =	sst s22  }
0x52: {  	s24 =	simm.s32 $0x2A00;
	[smem:$0x761] =	sst s23  }
0x53: {  	s25 =	simm.s32 $0x2A80;
	[smem:$0x762] =	sst s24  }
0x54: {  	s26 =	simm.s32 $0x2B00;
	[smem:$0x763] =	sst s25  }
0x55: {  	s0 =	simm.s32 $0x2B80;
	[smem:$0x764] =	sst s26  }
0x56: {  	s6 =	simm.s32 $0x1600;
	[smem:$0x765] =	sst s0  }
0x57: {  	s9 =	simm.s32 $0x1780;
	[smem:$0x73A] =	sst s6  }
0x58: {  	s7 =	simm.s32 $0x2180;
	[smem:$0x73D] =	sst s9  }
0x59: {  	s8 =	simm.s32 $0x2200;
	[smem:$0x751] =	sst s7  }
0x5a: {  	s10 =	simm.s32 $0x2E00;
	[smem:$0x752] =	sst s8  }
0x5b: {  	s11 =	simm.s32 $0x2E80;
	[smem:$0x76A] =	sst s10  }
0x5c: {  	s12 =	simm.s32 $0x2F00;
	[smem:$0x76B] =	sst s11  }
0x5d: {  	s13 =	simm.s32 $0x2F80;
	[smem:$0x76C] =	sst s12  }
0x5e: {  	s14 =	simm.s32 $0x3000;
	[smem:$0x76D] =	sst s13  }
0x5f: {  	s15 =	simm.s32 $0x3080;
	[smem:$0x76E] =	sst s14  }
0x60: {  	s16 =	simm.s32 $0x3100;
	[smem:$0x76F] =	sst s15  }
0x61: {  	s17 =	simm.s32 $0x3180;
	[smem:$0x770] =	sst s16  }
0x62: {  	s18 =	simm.s32 $0x3200;
	[smem:$0x771] =	sst s17  }
0x63: {  	s19 =	simm.s32 $0x3280;
	[smem:$0x772] =	sst s18  }
0x64: {  	s20 =	simm.s32 $0x3300;
	[smem:$0x773] =	sst s19  }
0x65: {  	s21 =	simm.s32 $0x3380;
	[smem:$0x774] =	sst s20  }
0x66: {  	s22 =	simm.s32 $0x3400;
	[smem:$0x775] =	sst s21  }
0x67: {  	s23 =	simm.s32 $0x3480;
	[smem:$0x776] =	sst s22  }
0x68: {  	s24 =	simm.s32 $0x3500;
	[smem:$0x777] =	sst s23  }
0x69: {  	s25 =	simm.s32 $0x3580;
	[smem:$0x778] =	sst s24  }
0x6a: {  	s26 =	simm.s32 $0x3600;
	[smem:$0x779] =	sst s25  }
0x6b: {  	s0 =	simm.s32 $0x3680;
	[smem:$0x77A] =	sst s26  }
0x6c: {  	s6 =	simm.s32 $0x2100;
	[smem:$0x77B] =	sst s0  }
0x6d: {  	s9 =	simm.s32 $0x2280;
	[smem:$0x750] =	sst s6  }
0x6e: {  	s7 =	simm.s32 $0x2C80;
	[smem:$0x753] =	sst s9  }
0x6f: {  	s8 =	simm.s32 $0x2D00;
	[smem:$0x767] =	sst s7  }
0x70: {  	s10 =	simm.s32 $0x3900;
	[smem:$0x768] =	sst s8  }
0x71: {  	s11 =	simm.s32 $0x3980;
	[smem:$0x780] =	sst s10  }
0x72: {  	s12 =	simm.s32 $0x3A00;
	[smem:$0x781] =	sst s11  }
0x73: {  	s13 =	simm.s32 $0x3A80;
	[smem:$0x782] =	sst s12  }
0x74: {  	s14 =	simm.s32 $0x3B00;
	[smem:$0x783] =	sst s13  }
0x75: {  	s15 =	simm.s32 $0x3B80;
	[smem:$0x784] =	sst s14  }
0x76: {  	s16 =	simm.s32 $0x3C00;
	[smem:$0x785] =	sst s15  }
0x77: {  	s17 =	simm.s32 $0x3C80;
	[smem:$0x786] =	sst s16  }
0x78: {  	s18 =	simm.s32 $0x3D00;
	[smem:$0x787] =	sst s17  }
0x79: {  	s19 =	simm.s32 $0x3D80;
	[smem:$0x788] =	sst s18  }
0x7a: {  	s20 =	simm.s32 $0x3E00;
	[smem:$0x789] =	sst s19  }
0x7b: {  	s21 =	simm.s32 $0x3E80;
	[smem:$0x78A] =	sst s20  }
0x7c: {  	s22 =	simm.s32 $0x3F00;
	[smem:$0x78B] =	sst s21  }
0x7d: {  	s23 =	simm.s32 $0x3F80;
	[smem:$0x78C] =	sst s22  }
0x7e: {  	s24 =	simm.s32 $0x4000;
	[smem:$0x78D] =	sst s23  }
0x7f: {  	s25 =	simm.s32 $0x4080;
	[smem:$0x78E] =	sst s24  }
0x80: {  	s26 =	simm.s32 $0x4100;
	[smem:$0x78F] =	sst s25  }
0x81: {  	s0 =	simm.s32 $0x80;
	[smem:$0x790] =	sst s26  }
0x82: {  	s6 =	simm.s32 $0x2C00;
	[smem:$0x791] =	sst s0  }
0x83: {  	s9 =	simm.s32 $0x2D80;
	[smem:$0x766] =	sst s6  }
0x84: {  	s7 =	simm.s32 $0x3780;
	[smem:$0x769] =	sst s9  }
0x85: {  	s8 =	simm.s32 $0x3800;
	[smem:$0x77D] =	sst s7  }
0x86: {  	s10 =	simm.s32 $0x4400;
	[smem:$0x77E] =	sst s8  }
0x87: {  	s11 =	simm.s32 $0x4480;
	[smem:$0x796] =	sst s10  }
0x88: {  	s12 =	simm.s32 $0x4500;
	[smem:$0x797] =	sst s11  }
0x89: {  	s13 =	simm.s32 $0x4580;
	[smem:$0x798] =	sst s12  }
0x8a: {  	s14 =	simm.s32 $0x4600;
	[smem:$0x799] =	sst s13  }
0x8b: {  	s15 =	simm.s32 $0x4680;
	[smem:$0x79A] =	sst s14  }
0x8c: {  	s16 =	simm.s32 $0x4700;
	[smem:$0x79B] =	sst s15  }
0x8d: {  	s17 =	simm.s32 $0x4780;
	[smem:$0x79C] =	sst s16  }
0x8e: {  	s18 =	simm.s32 $0x4800;
	[smem:$0x79D] =	sst s17  }
0x8f: {  	s19 =	simm.s32 $0x4880;
	[smem:$0x79E] =	sst s18  }
0x90: {  	s20 =	simm.s32 $0x4900;
	[smem:$0x79F] =	sst s19  }
0x91: {  	s21 =	simm.s32 $0x4980;
	[smem:$0x7A0] =	sst s20  }
0x92: {  	s22 =	simm.s32 $0x4A00;
	[smem:$0x7A1] =	sst s21  }
0x93: {  	s23 =	simm.s32 $0x4A80;
	[smem:$0x7A2] =	sst s22  }
0x94: {  	s24 =	simm.s32 $0x4B00;
	[smem:$0x7A3] =	sst s23  }
0x95: {  	s25 =	simm.s32 $0x4B80;
	[smem:$0x7A4] =	sst s24  }
0x96: {  	s26 =	simm.s32 $0x4C00;
	[smem:$0x7A5] =	sst s25  }
0x97: {  	s0 =	simm.s32 $0x4C80;
	[smem:$0x7A6] =	sst s26  }
0x98: {  	s6 =	simm.s32 $0x3700;
	[smem:$0x7A7] =	sst s0  }
0x99: {  	s9 =	simm.s32 $0x3880;
	[smem:$0x77C] =	sst s6  }
0x9a: {  	s7 =	simm.s32 $0x4280;
	[smem:$0x77F] =	sst s9  }
0x9b: {  	s8 =	simm.s32 $0x4300;
	[smem:$0x793] =	sst s7  }
0x9c: {  	s10 =	simm.s32 $0x4F00;
	[smem:$0x794] =	sst s8  }
0x9d: {  	s11 =	simm.s32 $0x4F80;
	[smem:$0x7AC] =	sst s10  }
0x9e: {  	s12 =	simm.s32 $0x5000;
	[smem:$0x7AD] =	sst s11  }
0x9f: {  	s13 =	simm.s32 $0x5080;
	[smem:$0x7AE] =	sst s12  }
0xa0: {  	s14 =	simm.s32 $0x5100;
	[smem:$0x7AF] =	sst s13  }
0xa1: {  	s15 =	simm.s32 $0x5180;
	[smem:$0x7B0] =	sst s14  }
0xa2: {  	s16 =	simm.s32 $0x5200;
	[smem:$0x7B1] =	sst s15  }
0xa3: {  	s17 =	simm.s32 $0x5280;
	[smem:$0x7B2] =	sst s16  }
0xa4: {  	s18 =	simm.s32 $0x5300;
	[smem:$0x7B3] =	sst s17  }
0xa5: {  	s19 =	simm.s32 $0x5380;
	[smem:$0x7B4] =	sst s18  }
0xa6: {  	s20 =	simm.s32 $0x5400;
	[smem:$0x7B5] =	sst s19  }
0xa7: {  	s21 =	simm.s32 $0x5480;
	[smem:$0x7B6] =	sst s20  }
0xa8: {  	s22 =	simm.s32 $0x5500;
	[smem:$0x7B7] =	sst s21  }
0xa9: {  	s23 =	simm.s32 $0x5580;
	[smem:$0x7B8] =	sst s22  }
0xaa: {  	s24 =	simm.s32 $0x5600;
	[smem:$0x7B9] =	sst s23  }
0xab: {  	s25 =	simm.s32 $0x5680;
	[smem:$0x7BA] =	sst s24  }
0xac: {  	s26 =	simm.s32 $0x5700;
	[smem:$0x7BB] =	sst s25  }
0xad: {  	s0 =	simm.s32 $0x5780;
	[smem:$0x7BC] =	sst s26  }
0xae: {  	s6 =	simm.s32 $0x4200;
	[smem:$0x7BD] =	sst s0  }
0xaf: {  	s9 =	simm.s32 $0x4380;
	[smem:$0x792] =	sst s6  }
0xb0: {  	s7 =	simm.s32 $0x4D80;
	[smem:$0x795] =	sst s9  }
0xb1: {  	s8 =	simm.s32 $0x4E00;
	[smem:$0x7A9] =	sst s7  }
0xb2: {  	s10 =	simm.s32 $0x5A00;
	[smem:$0x7AA] =	sst s8  }
0xb3: {  	s11 =	simm.s32 $0x5A80;
	[smem:$0x7C2] =	sst s10  }
0xb4: {  	s12 =	simm.s32 $0x5B00;
	[smem:$0x7C3] =	sst s11  }
0xb5: {  	s13 =	simm.s32 $0x5B80;
	[smem:$0x7C4] =	sst s12  }
0xb6: {  	s14 =	simm.s32 $0x5C00;
	[smem:$0x7C5] =	sst s13  }
0xb7: {  	s15 =	simm.s32 $0x5C80;
	[smem:$0x7C6] =	sst s14  }
0xb8: {  	s16 =	simm.s32 $0x5D00;
	[smem:$0x7C7] =	sst s15  }
0xb9: {  	s17 =	simm.s32 $0x5D80;
	[smem:$0x7C8] =	sst s16  }
0xba: {  	s18 =	simm.s32 $0x5E00;
	[smem:$0x7C9] =	sst s17  }
0xbb: {  	s19 =	simm.s32 $0x5E80;
	[smem:$0x7CA] =	sst s18  }
0xbc: {  	s20 =	simm.s32 $0x5F00;
	[smem:$0x7CB] =	sst s19  }
0xbd: {  	s21 =	simm.s32 $0x5F80;
	[smem:$0x7CC] =	sst s20  }
0xbe: {  	s22 =	simm.s32 $0x6000;
	[smem:$0x7CD] =	sst s21  }
0xbf: {  	s23 =	simm.s32 $0x6080;
	[smem:$0x7CE] =	sst s22  }
0xc0: {  	s24 =	simm.s32 $0x6100;
	[smem:$0x7CF] =	sst s23  }
0xc1: {  	s25 =	simm.s32 $0x6180;
	[smem:$0x7D0] =	sst s24  }
0xc2: {  	s26 =	simm.s32 $0x6200;
	[smem:$0x7D1] =	sst s25  }
0xc3: {  	s0 =	simm.s32 $0x6280;
	[smem:$0x7D2] =	sst s26  }
0xc4: {  	s6 =	simm.s32 $0x4D00;
	[smem:$0x7D3] =	sst s0  }
0xc5: {  	s9 =	simm.s32 $0x4E80;
	[smem:$0x7A8] =	sst s6  }
0xc6: {  	s7 =	simm.s32 $0x5880;
	[smem:$0x7AB] =	sst s9  }
0xc7: {  	s8 =	simm.s32 $0x5900;
	[smem:$0x7BF] =	sst s7  }
0xc8: {  	s10 =	simm.s32 $0x6500;
	[smem:$0x7C0] =	sst s8  }
0xc9: {  	s11 =	simm.s32 $0x6580;
	[smem:$0x7D8] =	sst s10  }
0xca: {  	s12 =	simm.s32 $0x6600;
	[smem:$0x7D9] =	sst s11  }
0xcb: {  	s13 =	simm.s32 $0x6680;
	[smem:$0x7DA] =	sst s12  }
0xcc: {  	s14 =	simm.s32 $0x6700;
	[smem:$0x7DB] =	sst s13  }
0xcd: {  	s15 =	simm.s32 $0x6780;
	[smem:$0x7DC] =	sst s14  }
0xce: {  	s16 =	simm.s32 $0x6800;
	[smem:$0x7DD] =	sst s15  }
0xcf: {  	s17 =	simm.s32 $0x6880;
	[smem:$0x7DE] =	sst s16  }
0xd0: {  	s18 =	simm.s32 $0x6900;
	[smem:$0x7DF] =	sst s17  }
0xd1: {  	s19 =	simm.s32 $0x6980;
	[smem:$0x7E0] =	sst s18  }
0xd2: {  	s20 =	simm.s32 $0x6A00;
	[smem:$0x7E1] =	sst s19  }
0xd3: {  	s21 =	simm.s32 $0x6A80;
	[smem:$0x7E2] =	sst s20  }
0xd4: {  	s22 =	simm.s32 $0x6B00;
	[smem:$0x7E3] =	sst s21  }
0xd5: {  	s23 =	simm.s32 $0x6B80;
	[smem:$0x7E4] =	sst s22  }
0xd6: {  	s24 =	simm.s32 $0x6C00;
	[smem:$0x7E5] =	sst s23  }
0xd7: {  	s25 =	simm.s32 $0x6C80;
	[smem:$0x7E6] =	sst s24  }
0xd8: {  	s26 =	simm.s32 $0x6D00;
	[smem:$0x7E7] =	sst s25  }
0xd9: {  	s0 =	simm.s32 $0x6D80;
	[smem:$0x7E8] =	sst s26  }
0xda: {  	s6 =	simm.s32 $0x5800;
	[smem:$0x7E9] =	sst s0  }
0xdb: {  	s9 =	simm.s32 $0x5980;
	[smem:$0x7BE] =	sst s6  }
0xdc: {  	s7 =	simm.s32 $0x6380;
	[smem:$0x7C1] =	sst s9  }
0xdd: {  	s8 =	simm.s32 $0x6400;
	[smem:$0x7D5] =	sst s7  }
0xde: {  	s10 =	simm.s32 $0x7000;
	[smem:$0x7D6] =	sst s8  }
0xdf: {  	s11 =	simm.s32 $0x7080;
	[smem:$0x7EE] =	sst s10  }
0xe0: {  	s28 =	simm.s32 $0x7A00;
	s12 =	simm.s32 $0x7100;
	[smem:$0x7EF] =	sst s11  }
0xe1: {  	s29 =	simm.s32 $0x2;
	s13 =	simm.s32 $0x7180;
	[smem:$0x7F0] =	sst s12  }
0xe2: {  	s30 =	simm.s32 $0x3;
	s14 =	simm.s32 $0x7200;
	[smem:$0x7F1] =	sst s13  }
0xe3: {  	s31 =	simm.s32 $0x4;
	s15 =	simm.s32 $0x7280;
	[smem:$0x7F2] =	sst s14  }
0xe4: {  	s4 =	ssub.s32 $0x2, s4;
	s16 =	simm.s32 $0x7300;
	[smem:$0x7F3] =	sst s15  }
0xe5: {  	s3 =	sshll.u32 s3, $0x7;
	s17 =	simm.s32 $0x7380;
	[smem:$0x7F4] =	sst s16  }
0xe6: {  	s3 =	sadd.s32 s1, s3;
	s18 =	simm.s32 $0x7400;
	[smem:$0x7F5] =	sst s17  }
0xe7: {  	s1 =	simm.s32 $0x8180;
	s19 =	simm.s32 $0x7480;
	[smem:$0x7F6] =	sst s18  }
0xe8: {  	s5 =	simm.s32 $0x5;
	s21 =	simm.s32 $0x7500;
	[smem:$0x7F7] =	sst s19  }
0xe9: {  	s20 =	sshrl.u32 s4, $0x1;
	s22 =	simm.s32 $0x7580;
	[smem:$0x7F8] =	sst s21  }
0xea: {  	s23 =	simm.s32 $0x7600;
	s24 =	simm.s32 $0x7680;
	[smem:$0x7F9] =	sst s22  }
0xeb: {  	s25 =	simm.s32 $0x7700;
	s26 =	simm.s32 $0x7780;
	[smem:$0x7FA] =	sst s23  }
0xec: {  	s6 =	simm.s32 $0x6300;
	s9 =	simm.s32 $0x6480;
	[smem:$0x7FB] =	sst s24  }
0xed: {  	s7 =	simm.s32 $0x6E80;
	s8 =	simm.s32 $0x6F00;
	[smem:$0x7FC] =	sst s25  }
0xee: {  	s4 =	ssub.s32 s4, s20;
	[smem:$0x7FD] =	sst s26;
	s10 =	simm.s32 $0x7900  }
0xef: {  	v0 =	vimm.s32 $0x7;
	v1 =	vimm.s32 $0x5;
	v12 =	vlaneseq.u32;
	s11 =	simm.s32 $0x7E80;
	s12 =	simm.s32 $0x8100;
	s13 =	simm.s32 $0x1  }
0xf0: {  	v2 =	vimm.s32 $0x0;
	vm0 =	vmmov $0x1;
	v4 =	vimm.s32 $0x1;
	s14 =	simm.s32 $0x7980;
	s15 =	simm.s32 $0x8080;
	s16 =	simm.s32 $0x8000  }
0xf1: {  	v5 =	vimm.s32 $0x2;
	v6 =	vimm.s32 $0x3;
	v7 =	vimm.s32 $0x4;
	s17 =	simm.s32 $0x7F80;
	s18 =	simm.s32 $0x7B00;
	s19 =	simm.s32 $0x7F00  }
0xf2: {  	v8 =	vimm.s32 $0x6;
	v9 =	vimm.s32 $0x8;
	v10 =	vimm.s32 $0x9;
	s20 =	simm.s32 $0x7B80;
	s21 =	simm.s32 $0x7E00;
	[smem:$0x7D4] =	sst s6  }
0xf3: {  	v11 =	vimm.s32 $0xA;
	v3 =	vmul.u32 $0x8, v12;
	v12 =	vmul.u32 $0x81, v12;
	s22 =	simm.s32 $0x7D80;
	s23 =	simm.s32 $0x7D00;
	[smem:$0x7D7] =	sst s9  }
0xf4: {  	v13 =	vimm.s32 $0xB;
	v14 =	vimm.s32 $0xC;
	v15 =	vimm.s32 $0xD;
	s24 =	simm.s32 $0x7C00;
	s25 =	simm.s32 $0x7C80;
	[smem:$0x7EB] =	sst s7  }
0xf5: {  	v16 =	vimm.s32 $0xE;
	v17 =	vimm.s32 $0xF;
	v18 =	vadd.s32 $0x810, v12;
	s26 =	simm.s32 $0x7A80;
	s6 =	simm.s32 $0x6E00;
	[smem:$0x7EC] =	sst s8  }
0xf6: {  	v19 =	vadd.s32 $0x1020, v12;
	v20 =	vadd.s32 $0x1830, v12;
	v21 =	vadd.s32 $0x2040, v12;
	s9 =	simm.s32 $0x6F80;
	s4 =	smax.u32 s4, $0x1;
	[smem:$0x7EA] =	sst s6  }
0xf7: {  	v22 =	vadd.s32 $0x2850, v12;
	v23 =	vadd.s32 $0x3060, v12;
	v24 =	vadd.s32 $0x3870, v12;
	s7 =	simm.s32 $0x4180;
	[smem:$0x7ED] =	sst s9;
	s6 =	simm.s32 $0x180  }
.LBB2_1:
0xf8: {  	s0 =	rddreg [dreg:$0x5]  }
0xf9: {  	[tilespmem:s2], [sflag:$0x5] =	stream.linear.gather [hbm4b:s0+s2], $0x80, $0x38;
	[tilespmem:$0x8200] =	vst v63  }
0xfa: {  	_ =	swait.ge [sflag:s5], $0x80  }
0xfb: {  	[sflag:s5] =	ssyncset.done $0x0  }
0xfc: {  	[sflag:s5] =	ssyncadd.s32 $0xFFFFFF80  }
0xfd: {  	v25 =	vld [tilespmem:$0x0];
	_ =	sdelay $0x4  }
0xfe: {  	v26 =	vshll.u32 v25, $0x5  }
0xff: {  	v25 =	vand.u32 $0x7, v25;
	v26 =	vand.u32 $0xFFFFFF00, v26  }
0x100: {  	v25 =	vor.u32 v25, v26  }
0x101: {  	v26 =	vperm.xlane v25, v2;
	_ =	sdelay $0x1  }
0x102: {  	v27 =	vperm.xlane v25, v4;
	v26 =	vadd.s32 v3, v26;
	_ =	sdelay $0x1  }
0x103: {  	v28 =	vperm.xlane v25, v5;
	v27 =	vadd.s32 v3, v27;
	_ =	sdelay $0x1  }
0x104: {  	v29 =	vperm.xlane v25, v6;
	v28 =	vadd.s32 v3, v28  }
0x105: {  	[tilespmem:s6], [sflag:$0x1] =	stream.indirect_vreg.gather [hbm4b:s3+s2], $0x80, v26, vm0, $0xb8;
	[tilespmem:$0x8200] =	vst v63  }
0x106: {  	s9 =	rddreg [dreg:$0x8];
	v52 =	vperm.xlane v25, v7;
	v26 =	vadd.s32 v3, v29  }
0x107: {  	[tilespmem:s9], [sflag:$0x1] =	stream.indirect_vreg.gather [hbm4b:s3+s2], $0x80, v27, vm0, $0xb8;
	[tilespmem:$0x8200] =	vst v63  }
0x108: {  	s8 =	rddreg [dreg:$0x9];
	v53 =	vperm.xlane v25, v1;
	v27 =	vadd.s32 v3, v52  }
0x109: {  	[tilespmem:s8], [sflag:$0x1] =	stream.indirect_vreg.gather [hbm4b:s3+s2], $0x80, v28, vm0, $0xb8;
	[tilespmem:$0x8200] =	vst v63  }
0x10a: {  	v55 =	vperm.xlane v25, v8;
	v54 =	vadd.s32 v3, v53;
	s9 =	rddreg [dreg:$0xa]  }
0x10b: {  	[tilespmem:s9], [sflag:$0x1] =	stream.indirect_vreg.gather [hbm4b:s3+s2], $0x80, v26, vm0, $0xb8;
	[tilespmem:$0x8200] =	vst v63  }
0x10c: {  	v56 =	vperm.xlane v25, v0;
	s8 =	rddreg [dreg:$0xb];
	v26 =	vadd.s32 v3, v55  }
0x10d: {  	[tilespmem:s8], [sflag:$0x1] =	stream.indirect_vreg.gather [hbm4b:s3+s2], $0x80, v27, vm0, $0xb8;
	[tilespmem:$0x8200] =	vst v63  }
0x10e: {  	v57 =	vperm.xlane v25, v9;
	s9 =	rddreg [dreg:$0xc];
	v27 =	vadd.s32 v3, v56  }
0x10f: {  	[tilespmem:s9], [sflag:$0x1] =	stream.indirect_vreg.gather [hbm4b:s3+s2], $0x80, v54, vm0, $0xb8;
	[tilespmem:$0x8200] =	vst v63  }
0x110: {  	v59 =	vperm.xlane v25, v10;
	v58 =	vadd.s32 v3, v57;
	s8 =	rddreg [dreg:$0xd]  }
0x111: {  	[tilespmem:s8], [sflag:$0x1] =	stream.indirect_vreg.gather [hbm4b:s3+s2], $0x80, v26, vm0, $0xb8;
	[tilespmem:$0x8200] =	vst v63  }
0x112: {  	v60 =	vperm.xlane v25, v11;
	s9 =	rddreg [dreg:$0xe];
	v26 =	vadd.s32 v3, v59  }
0x113: {  	[tilespmem:s9], [sflag:$0x1] =	stream.indirect_vreg.gather [hbm4b:s3+s2], $0x80, v27, vm0, $0xb8;
	[tilespmem:$0x8200] =	vst v63  }
0x114: {  	v61 =	vperm.xlane v25, v13;
	s8 =	rddreg [dreg:$0xf];
	v27 =	vadd.s32 v3, v60  }
0x115: {  	[tilespmem:s8], [sflag:$0x1] =	stream.indirect_vreg.gather [hbm4b:s3+s2], $0x80, v58, vm0, $0xb8;
	[tilespmem:$0x8200] =	vst v63  }
0x116: {  	v63 =	vperm.xlane v25, v14;
	v62 =	vadd.s32 v3, v61;
	s9 =	rddreg [dreg:$0x10]  }
0x117: {  	[tilespmem:s9], [sflag:$0x1] =	stream.indirect_vreg.gather [hbm4b:s3+s2], $0x80, v26, vm0, $0xb8;
	[tilespmem:$0x8200] =	vst v63  }
0x118: {  	v32 =	vperm.xlane v25, v15;
	s8 =	rddreg [dreg:$0x11];
	v26 =	vadd.s32 v3, v63  }
0x119: {  	[tilespmem:s8], [sflag:$0x1] =	stream.indirect_vreg.gather [hbm4b:s3+s2], $0x80, v27, vm0, $0xb8;
	[tilespmem:$0x8200] =	vst v63  }
0x11a: {  	v33 =	vperm.xlane v25, v16;
	s9 =	rddreg [dreg:$0x12];
	v27 =	vadd.s32 v3, v32  }
0x11b: {  	[tilespmem:s9], [sflag:$0x1] =	stream.indirect_vreg.gather [hbm4b:s3+s2], $0x80, v62, vm0, $0xb8;
	[tilespmem:$0x8200] =	vst v63  }
0x11c: {  	v25 =	vperm.xlane v25, v17;
	v34 =	vadd.s32 v3, v33;
	s8 =	rddreg [dreg:$0x13]  }
0x11d: {  	[tilespmem:s8], [sflag:$0x1] =	stream.indirect_vreg.gather [hbm4b:s3+s2], $0x80, v26, vm0, $0xb8;
	[tilespmem:$0x8200] =	vst v63  }
0x11e: {  	v25 =	vadd.s32 v3, v25;
	s9 =	rddreg [dreg:$0x14]  }
0x11f: {  	[tilespmem:s9], [sflag:$0x1] =	stream.indirect_vreg.gather [hbm4b:s3+s2], $0x80, v27, vm0, $0xb8;
	[tilespmem:$0x8200] =	vst v63  }
0x120: {  	s8 =	rddreg [dreg:$0x15]  }
0x121: {  	[tilespmem:s8], [sflag:$0x1] =	stream.indirect_vreg.gather [hbm4b:s3+s2], $0x80, v34, vm0, $0xb8;
	[tilespmem:$0x8200] =	vst v63  }
0x122: {  	s9 =	rddreg [dreg:$0x16]  }
0x123: {  	[tilespmem:s9], [sflag:$0x1] =	stream.indirect_vreg.gather [hbm4b:s3+s2], $0x80, v25, vm0, $0xb8;
	[tilespmem:$0x8200] =	vst v63  }
0x124: {  	v25 =	vld [tilespmem:$0x10];
	_ =	sdelay $0x4  }
0x125: {  	v26 =	vshll.u32 v25, $0x5  }
0x126: {  	v25 =	vand.u32 $0x7, v25;
	v26 =	vand.u32 $0xFFFFFF00, v26  }
0x127: {  	v25 =	vor.u32 v25, v26  }
0x128: {  	v26 =	vperm.xlane v25, v2;
	_ =	sdelay $0x1  }
0x129: {  	v27 =	vperm.xlane v25, v4;
	v26 =	vadd.s32 v3, v26;
	_ =	sdelay $0x1  }
0x12a: {  	v35 =	vperm.xlane v25, v5;
	v27 =	vadd.s32 v3, v27  }
0x12b: {  	s0 =	rddreg [dreg:$0x19]  }
0x12c: {  	s8 =	rddreg [dreg:$0x17];
	v36 =	vperm.xlane v25, v6;
	v28 =	vadd.s32 v3, v35  }
0x12d: {  	[tilespmem:s8], [sflag:$0x1] =	stream.indirect_vreg.gather [hbm4b:s3+s2], $0x80, v26, vm0, $0xb8;
	[tilespmem:$0x8200] =	vst v63  }
0x12e: {  	s9 =	rddreg [dreg:$0x18];
	v37 =	vperm.xlane v25, v7;
	v26 =	vadd.s32 v3, v36  }
0x12f: {  	[tilespmem:s9], [sflag:$0x1] =	stream.indirect_vreg.gather [hbm4b:s3+s2], $0x80, v27, vm0, $0xb8;
	[tilespmem:$0x8200] =	vst v63  }
0x130: {  	v38 =	vperm.xlane v25, v1;
	s9 =	rddreg [dreg:$0x1a];
	v27 =	vadd.s32 v3, v37  }
0x131: {  	[tilespmem:s0], [sflag:$0x1] =	stream.indirect_vreg.gather [hbm4b:s3+s2], $0x80, v28, vm0, $0xb8;
	[tilespmem:$0x8200] =	vst v63  }
0x132: {  	v40 =	vperm.xlane v25, v8;
	v39 =	vadd.s32 v3, v38;
	s0 =	rddreg [dreg:$0x1b]  }
0x133: {  	[tilespmem:s9], [sflag:$0x1] =	stream.indirect_vreg.gather [hbm4b:s3+s2], $0x80, v26, vm0, $0xb8;
	[tilespmem:$0x8200] =	vst v63  }
0x134: {  	v41 =	vperm.xlane v25, v0;
	s9 =	rddreg [dreg:$0x1c];
	v26 =	vadd.s32 v3, v40  }
0x135: {  	[tilespmem:s0], [sflag:$0x1] =	stream.indirect_vreg.gather [hbm4b:s3+s2], $0x80, v27, vm0, $0xb8;
	[tilespmem:$0x8200] =	vst v63  }
0x136: {  	v42 =	vperm.xlane v25, v9;
	s0 =	rddreg [dreg:$0x1d];
	v27 =	vadd.s32 v3, v41  }
0x137: {  	[tilespmem:s9], [sflag:$0x1] =	stream.indirect_vreg.gather [hbm4b:s3+s2], $0x80, v39, vm0, $0xb8;
	[tilespmem:$0x8200] =	vst v63  }
0x138: {  	v44 =	vperm.xlane v25, v10;
	v43 =	vadd.s32 v3, v42;
	s9 =	rddreg [dreg:$0x1e]  }
0x139: {  	[tilespmem:s0], [sflag:$0x1] =	stream.indirect_vreg.gather [hbm4b:s3+s2], $0x80, v26, vm0, $0xb8;
	[tilespmem:$0x8200] =	vst v63  }
0x13a: {  	v45 =	vperm.xlane v25, v11;
	s0 =	rddreg [dreg:$0x1f];
	v26 =	vadd.s32 v3, v44  }
0x13b: {  	[tilespmem:s9], [sflag:$0x1] =	stream.indirect_vreg.gather [hbm4b:s3+s2], $0x80, v27, vm0, $0xb8;
	[tilespmem:$0x8200] =	vst v63  }
0x13c: {  	v46 =	vperm.xlane v25, v13;
	s9 =	sld [smem:$0x72A];
	v27 =	vadd.s32 v3, v45  }
0x13d: {  	[tilespmem:s0], [sflag:$0x1] =	stream.indirect_vreg.gather [hbm4b:s3+s2], $0x80, v43, vm0, $0xb8;
	[tilespmem:$0x8200] =	vst v63  }
0x13e: {  	v48 =	vperm.xlane v25, v14;
	v47 =	vadd.s32 v3, v46;
	s0 =	sld [smem:$0x72B]  }
0x13f: {  	[tilespmem:s9], [sflag:$0x1] =	stream.indirect_vreg.gather [hbm4b:s3+s2], $0x80, v26, vm0, $0xb8;
	[tilespmem:$0x8200] =	vst v63  }
0x140: {  	v49 =	vperm.xlane v25, v15;
	s9 =	sld [smem:$0x72C];
	v26 =	vadd.s32 v3, v48  }
0x141: {  	[tilespmem:s0], [sflag:$0x1] =	stream.indirect_vreg.gather [hbm4b:s3+s2], $0x80, v27, vm0, $0xb8;
	[tilespmem:$0x8200] =	vst v63  }
0x142: {  	v50 =	vperm.xlane v25, v16;
	s0 =	sld [smem:$0x72D];
	v27 =	vadd.s32 v3, v49  }
0x143: {  	[tilespmem:s9], [sflag:$0x1] =	stream.indirect_vreg.gather [hbm4b:s3+s2], $0x80, v47, vm0, $0xb8;
	[tilespmem:$0x8200] =	vst v63  }
0x144: {  	v25 =	vperm.xlane v25, v17;
	v51 =	vadd.s32 v3, v50;
	s9 =	sld [smem:$0x72E]  }
0x145: {  	[tilespmem:s0], [sflag:$0x1] =	stream.indirect_vreg.gather [hbm4b:s3+s2], $0x80, v26, vm0, $0xb8;
	[tilespmem:$0x8200] =	vst v63  }
0x146: {  	v25 =	vadd.s32 v3, v25;
	s0 =	sld [smem:$0x72F]  }
0x147: {  	[tilespmem:s9], [sflag:$0x1] =	stream.indirect_vreg.gather [hbm4b:s3+s2], $0x80, v27, vm0, $0xb8;
	[tilespmem:$0x8200] =	vst v63  }
0x148: {  	s9 =	sld [smem:$0x730]  }
0x149: {  	[tilespmem:s0], [sflag:$0x1] =	stream.indirect_vreg.gather [hbm4b:s3+s2], $0x80, v51, vm0, $0xb8;
	[tilespmem:$0x8200] =	vst v63  }
0x14a: {  	_ = 	snop  }
0x14b: {  	[tilespmem:s9], [sflag:$0x1] =	stream.indirect_vreg.gather [hbm4b:s3+s2], $0x80, v25, vm0, $0xb8;
	[tilespmem:$0x8200] =	vst v63  }
0x14c: {  	v25 =	vld [tilespmem:$0x20];
	_ =	sdelay $0x4  }
0x14d: {  	v26 =	vshll.u32 v25, $0x5  }
0x14e: {  	v25 =	vand.u32 $0x7, v25;
	v26 =	vand.u32 $0xFFFFFF00, v26  }
0x14f: {  	v25 =	vor.u32 v25, v26  }
0x150: {  	v26 =	vperm.xlane v25, v2;
	_ =	sdelay $0x1  }
0x151: {  	v27 =	vperm.xlane v25, v4;
	v26 =	vadd.s32 v3, v26;
	_ =	sdelay $0x1  }
0x152: {  	s9 =	sld [smem:$0x731];
	v52 =	vperm.xlane v25, v5;
	v27 =	vadd.s32 v3, v27;
	_ =	sdelay $0x1  }
0x153: {  	s8 =	sld [smem:$0x732];
	v53 =	vperm.xlane v25, v6;
	v28 =	vadd.s32 v3, v52  }
0x154: {  	[tilespmem:s9], [sflag:$0x1] =	stream.indirect_vreg.gather [hbm4b:s3+s2], $0x80, v26, vm0, $0xb8;
	[tilespmem:$0x8200] =	vst v63  }
0x155: {  	v54 =	vperm.xlane v25, v7;
	s9 =	sld [smem:$0x733];
	v26 =	vadd.s32 v3, v53  }
0x156: {  	[tilespmem:s8], [sflag:$0x1] =	stream.indirect_vreg.gather [hbm4b:s3+s2], $0x80, v27, vm0, $0xb8;
	[tilespmem:$0x8200] =	vst v63  }
0x157: {  	v55 =	vperm.xlane v25, v1;
	s8 =	sld [smem:$0x734];
	v27 =	vadd.s32 v3, v54  }
0x158: {  	[tilespmem:s9], [sflag:$0x1] =	stream.indirect_vreg.gather [hbm4b:s3+s2], $0x80, v28, vm0, $0xb8;
	[tilespmem:$0x8200] =	vst v63  }
0x159: {  	v57 =	vperm.xlane v25, v8;
	v56 =	vadd.s32 v3, v55;
	s9 =	sld [smem:$0x735]  }
0x15a: {  	[tilespmem:s8], [sflag:$0x1] =	stream.indirect_vreg.gather [hbm4b:s3+s2], $0x80, v26, vm0, $0xb8;
	[tilespmem:$0x8200] =	vst v63  }
0x15b: {  	v58 =	vperm.xlane v25, v0;
	s8 =	sld [smem:$0x736];
	v26 =	vadd.s32 v3, v57  }
0x15c: {  	[tilespmem:s9], [sflag:$0x1] =	stream.indirect_vreg.gather [hbm4b:s3+s2], $0x80, v27, vm0, $0xb8;
	[tilespmem:$0x8200] =	vst v63  }
0x15d: {  	v59 =	vperm.xlane v25, v9;
	s9 =	sld [smem:$0x737];
	v27 =	vadd.s32 v3, v58  }
0x15e: {  	[tilespmem:s8], [sflag:$0x1] =	stream.indirect_vreg.gather [hbm4b:s3+s2], $0x80, v56, vm0, $0xb8;
	[tilespmem:$0x8200] =	vst v63  }
0x15f: {  	v61 =	vperm.xlane v25, v10;
	v60 =	vadd.s32 v3, v59;
	s8 =	sld [smem:$0x738]  }
0x160: {  	[tilespmem:s9], [sflag:$0x1] =	stream.indirect_vreg.gather [hbm4b:s3+s2], $0x80, v26, vm0, $0xb8;
	[tilespmem:$0x8200] =	vst v63  }
0x161: {  	v62 =	vperm.xlane v25, v11;
	s9 =	sld [smem:$0x739];
	v26 =	vadd.s32 v3, v61  }
0x162: {  	[tilespmem:s8], [sflag:$0x1] =	stream.indirect_vreg.gather [hbm4b:s3+s2], $0x80, v27, vm0, $0xb8;
	[tilespmem:$0x8200] =	vst v63  }
0x163: {  	v63 =	vperm.xlane v25, v13;
	s8 =	sld [smem:$0x73A];
	v27 =	vadd.s32 v3, v62  }
0x164: {  	[tilespmem:s9], [sflag:$0x1] =	stream.indirect_vreg.gather [hbm4b:s3+s2], $0x80, v60, vm0, $0xb8;
	[tilespmem:$0x8200] =	vst v63  }
0x165: {  	v33 =	vperm.xlane v25, v14;
	v32 =	vadd.s32 v3, v63;
	s9 =	sld [smem:$0x73B]  }
0x166: {  	[tilespmem:s8], [sflag:$0x1] =	stream.indirect_vreg.gather [hbm4b:s3+s2], $0x80, v26, vm0, $0xb8;
	[tilespmem:$0x8200] =	vst v63  }
0x167: {  	v34 =	vperm.xlane v25, v15;
	s8 =	sld [smem:$0x73C];
	v26 =	vadd.s32 v3, v33  }
0x168: {  	[tilespmem:s9], [sflag:$0x1] =	stream.indirect_vreg.gather [hbm4b:s3+s2], $0x80, v27, vm0, $0xb8;
	[tilespmem:$0x8200] =	vst v63  }
0x169: {  	v35 =	vperm.xlane v25, v16;
	s9 =	sld [smem:$0x73D];
	v27 =	vadd.s32 v3, v34  }
0x16a: {  	[tilespmem:s8], [sflag:$0x1] =	stream.indirect_vreg.gather [hbm4b:s3+s2], $0x80, v32, vm0, $0xb8;
	[tilespmem:$0x8200] =	vst v63  }
0x16b: {  	v36 =	vadd.s32 v3, v35;
	s8 =	sld [smem:$0x73E]  }
0x16c: {  	[tilespmem:s9], [sflag:$0x1] =	stream.indirect_vreg.gather [hbm4b:s3+s2], $0x80, v26, vm0, $0xb8;
	[tilespmem:$0x8200] =	vst v63  }
0x16d: {  	v25 =	vperm.xlane v25, v17;
	s9 =	sld [smem:$0x73F]  }
0x16e: {  	[tilespmem:s8], [sflag:$0x1] =	stream.indirect_vreg.gather [hbm4b:s3+s2], $0x80, v27, vm0, $0xb8;
	[tilespmem:$0x8200] =	vst v63  }
0x16f: {  	v25 =	vadd.s32 v3, v25  }
0x170: {  	[tilespmem:s9], [sflag:$0x1] =	stream.indirect_vreg.gather [hbm4b:s3+s2], $0x80, v36, vm0, $0xb8;
	[tilespmem:$0x8200] =	vst v63  }
0x171: {  	s0 =	sld [smem:$0x740];
	_ =	sdelay $0x2  }
0x172: {  	[tilespmem:s0], [sflag:$0x1] =	stream.indirect_vreg.gather [hbm4b:s3+s2], $0x80, v25, vm0, $0xb8;
	[tilespmem:$0x8200] =	vst v63  }
0x173: {  	v25 =	vld [tilespmem:$0x30];
	_ =	sdelay $0x4  }
0x174: {  	v26 =	vshll.u32 v25, $0x5  }
0x175: {  	v25 =	vand.u32 $0x7, v25;
	v26 =	vand.u32 $0xFFFFFF00, v26  }
0x176: {  	v25 =	vor.u32 v25, v26  }
0x177: {  	v26 =	vperm.xlane v25, v2;
	_ =	sdelay $0x1  }
0x178: {  	v27 =	vperm.xlane v25, v4;
	v26 =	vadd.s32 v3, v26;
	_ =	sdelay $0x1  }
0x179: {  	s8 =	sld [smem:$0x741];
	v37 =	vperm.xlane v25, v5;
	v27 =	vadd.s32 v3, v27;
	_ =	sdelay $0x1  }
0x17a: {  	s9 =	sld [smem:$0x742];
	v38 =	vperm.xlane v25, v6;
	v28 =	vadd.s32 v3, v37  }
0x17b: {  	[tilespmem:s8], [sflag:$0x1] =	stream.indirect_vreg.gather [hbm4b:s3+s2], $0x80, v26, vm0, $0xb8;
	[tilespmem:$0x8200] =	vst v63  }
0x17c: {  	s0 =	sld [smem:$0x743];
	v39 =	vperm.xlane v25, v7;
	v26 =	vadd.s32 v3, v38  }
0x17d: {  	[tilespmem:s9], [sflag:$0x1] =	stream.indirect_vreg.gather [hbm4b:s3+s2], $0x80, v27, vm0, $0xb8;
	[tilespmem:$0x8200] =	vst v63  }
0x17e: {  	v40 =	vperm.xlane v25, v1;
	s9 =	sld [smem:$0x744];
	v27 =	vadd.s32 v3, v39  }
0x17f: {  	[tilespmem:s0], [sflag:$0x1] =	stream.indirect_vreg.gather [hbm4b:s3+s2], $0x80, v28, vm0, $0xb8;
	[tilespmem:$0x8200] =	vst v63  }
0x180: {  	v42 =	vperm.xlane v25, v8;
	v41 =	vadd.s32 v3, v40;
	s0 =	sld [smem:$0x745]  }
0x181: {  	[tilespmem:s9], [sflag:$0x1] =	stream.indirect_vreg.gather [hbm4b:s3+s2], $0x80, v26, vm0, $0xb8;
	[tilespmem:$0x8200] =	vst v63  }
0x182: {  	v43 =	vperm.xlane v25, v0;
	s9 =	sld [smem:$0x746];
	v26 =	vadd.s32 v3, v42  }
0x183: {  	[tilespmem:s0], [sflag:$0x1] =	stream.indirect_vreg.gather [hbm4b:s3+s2], $0x80, v27, vm0, $0xb8;
	[tilespmem:$0x8200] =	vst v63  }
0x184: {  	v44 =	vperm.xlane v25, v9;
	s0 =	sld [smem:$0x747];
	v27 =	vadd.s32 v3, v43  }
0x185: {  	[tilespmem:s9], [sflag:$0x1] =	stream.indirect_vreg.gather [hbm4b:s3+s2], $0x80, v41, vm0, $0xb8;
	[tilespmem:$0x8200] =	vst v63  }
0x186: {  	v46 =	vperm.xlane v25, v10;
	v45 =	vadd.s32 v3, v44;
	s9 =	sld [smem:$0x748]  }
0x187: {  	[tilespmem:s0], [sflag:$0x1] =	stream.indirect_vreg.gather [hbm4b:s3+s2], $0x80, v26, vm0, $0xb8;
	[tilespmem:$0x8200] =	vst v63  }
0x188: {  	v47 =	vperm.xlane v25, v11;
	s0 =	sld [smem:$0x749];
	v26 =	vadd.s32 v3, v46  }
0x189: {  	[tilespmem:s9], [sflag:$0x1] =	stream.indirect_vreg.gather [hbm4b:s3+s2], $0x80, v27, vm0, $0xb8;
	[tilespmem:$0x8200] =	vst v63  }
0x18a: {  	v48 =	vperm.xlane v25, v13;
	s9 =	sld [smem:$0x74A];
	v27 =	vadd.s32 v3, v47  }
0x18b: {  	[tilespmem:s0], [sflag:$0x1] =	stream.indirect_vreg.gather [hbm4b:s3+s2], $0x80, v45, vm0, $0xb8;
	[tilespmem:$0x8200] =	vst v63  }
0x18c: {  	v50 =	vperm.xlane v25, v14;
	v49 =	vadd.s32 v3, v48;
	s0 =	sld [smem:$0x74B]  }
0x18d: {  	[tilespmem:s9], [sflag:$0x1] =	stream.indirect_vreg.gather [hbm4b:s3+s2], $0x80, v26, vm0, $0xb8;
	[tilespmem:$0x8200] =	vst v63  }
0x18e: {  	v51 =	vperm.xlane v25, v15;
	s9 =	sld [smem:$0x74C];
	v26 =	vadd.s32 v3, v50  }
0x18f: {  	[tilespmem:s0], [sflag:$0x1] =	stream.indirect_vreg.gather [hbm4b:s3+s2], $0x80, v27, vm0, $0xb8;
	[tilespmem:$0x8200] =	vst v63  }
0x190: {  	v52 =	vperm.xlane v25, v16;
	s0 =	sld [smem:$0x74D];
	v27 =	vadd.s32 v3, v51  }
0x191: {  	[tilespmem:s9], [sflag:$0x1] =	stream.indirect_vreg.gather [hbm4b:s3+s2], $0x80, v49, vm0, $0xb8;
	[tilespmem:$0x8200] =	vst v63  }
0x192: {  	v25 =	vperm.xlane v25, v17;
	v53 =	vadd.s32 v3, v52;
	s9 =	sld [smem:$0x74E]  }
0x193: {  	[tilespmem:s0], [sflag:$0x1] =	stream.indirect_vreg.gather [hbm4b:s3+s2], $0x80, v26, vm0, $0xb8;
	[tilespmem:$0x8200] =	vst v63  }
0x194: {  	v25 =	vadd.s32 v3, v25;
	s0 =	sld [smem:$0x74F]  }
0x195: {  	[tilespmem:s9], [sflag:$0x1] =	stream.indirect_vreg.gather [hbm4b:s3+s2], $0x80, v27, vm0, $0xb8;
	[tilespmem:$0x8200] =	vst v63  }
0x196: {  	s9 =	sld [smem:$0x750]  }
0x197: {  	[tilespmem:s0], [sflag:$0x1] =	stream.indirect_vreg.gather [hbm4b:s3+s2], $0x80, v53, vm0, $0xb8;
	[tilespmem:$0x8200] =	vst v63  }
0x198: {  	_ = 	snop  }
0x199: {  	[tilespmem:s9], [sflag:$0x1] =	stream.indirect_vreg.gather [hbm4b:s3+s2], $0x80, v25, vm0, $0xb8;
	[tilespmem:$0x8200] =	vst v63  }
0x19a: {  	v25 =	vld [tilespmem:$0x40];
	_ =	sdelay $0x4  }
0x19b: {  	v26 =	vshll.u32 v25, $0x5  }
0x19c: {  	v25 =	vand.u32 $0x7, v25;
	v26 =	vand.u32 $0xFFFFFF00, v26  }
0x19d: {  	v25 =	vor.u32 v25, v26  }
0x19e: {  	v26 =	vperm.xlane v25, v2;
	_ =	sdelay $0x1  }
0x19f: {  	v27 =	vperm.xlane v25, v4;
	v26 =	vadd.s32 v3, v26;
	_ =	sdelay $0x1  }
0x1a0: {  	s8 =	sld [smem:$0x751];
	v54 =	vperm.xlane v25, v5;
	v27 =	vadd.s32 v3, v27;
	_ =	sdelay $0x1  }
0x1a1: {  	s9 =	sld [smem:$0x752];
	v55 =	vperm.xlane v25, v6;
	v28 =	vadd.s32 v3, v54  }
0x1a2: {  	[tilespmem:s8], [sflag:$0x3] =	stream.indirect_vreg.gather [hbm4b:s3+s2], $0x80, v26, vm0, $0xb8;
	[tilespmem:$0x8200] =	vst v63  }
0x1a3: {  	s0 =	sld [smem:$0x753];
	v56 =	vperm.xlane v25, v7;
	v26 =	vadd.s32 v3, v55  }
0x1a4: {  	[tilespmem:s9], [sflag:$0x3] =	stream.indirect_vreg.gather [hbm4b:s3+s2], $0x80, v27, vm0, $0xb8;
	[tilespmem:$0x8200] =	vst v63  }
0x1a5: {  	v57 =	vperm.xlane v25, v1;
	s9 =	sld [smem:$0x754];
	v27 =	vadd.s32 v3, v56  }
0x1a6: {  	[tilespmem:s0], [sflag:$0x3] =	stream.indirect_vreg.gather [hbm4b:s3+s2], $0x80, v28, vm0, $0xb8;
	[tilespmem:$0x8200] =	vst v63  }
0x1a7: {  	v59 =	vperm.xlane v25, v8;
	v58 =	vadd.s32 v3, v57;
	s0 =	sld [smem:$0x755]  }
0x1a8: {  	[tilespmem:s9], [sflag:$0x3] =	stream.indirect_vreg.gather [hbm4b:s3+s2], $0x80, v26, vm0, $0xb8;
	[tilespmem:$0x8200] =	vst v63  }
0x1a9: {  	v60 =	vperm.xlane v25, v0;
	s9 =	sld [smem:$0x756];
	v26 =	vadd.s32 v3, v59  }
0x1aa: {  	[tilespmem:s0], [sflag:$0x3] =	stream.indirect_vreg.gather [hbm4b:s3+s2], $0x80, v27, vm0, $0xb8;
	[tilespmem:$0x8200] =	vst v63  }
0x1ab: {  	v61 =	vperm.xlane v25, v9;
	s0 =	sld [smem:$0x757];
	v27 =	vadd.s32 v3, v60  }
0x1ac: {  	[tilespmem:s9], [sflag:$0x3] =	stream.indirect_vreg.gather [hbm4b:s3+s2], $0x80, v58, vm0, $0xb8;
	[tilespmem:$0x8200] =	vst v63  }
0x1ad: {  	v63 =	vperm.xlane v25, v10;
	v62 =	vadd.s32 v3, v61;
	s9 =	sld [smem:$0x758]  }
0x1ae: {  	[tilespmem:s0], [sflag:$0x3] =	stream.indirect_vreg.gather [hbm4b:s3+s2], $0x80, v26, vm0, $0xb8;
	[tilespmem:$0x8200] =	vst v63  }
0x1af: {  	v32 =	vperm.xlane v25, v11;
	s0 =	sld [smem:$0x759];
	v26 =	vadd.s32 v3, v63  }
0x1b0: {  	[tilespmem:s9], [sflag:$0x3] =	stream.indirect_vreg.gather [hbm4b:s3+s2], $0x80, v27, vm0, $0xb8;
	[tilespmem:$0x8200] =	vst v63  }
0x1b1: {  	v33 =	vperm.xlane v25, v13;
	s9 =	sld [smem:$0x75A];
	v27 =	vadd.s32 v3, v32  }
0x1b2: {  	[tilespmem:s0], [sflag:$0x3] =	stream.indirect_vreg.gather [hbm4b:s3+s2], $0x80, v62, vm0, $0xb8;
	[tilespmem:$0x8200] =	vst v63  }
0x1b3: {  	v35 =	vperm.xlane v25, v14;
	v34 =	vadd.s32 v3, v33;
	s0 =	sld [smem:$0x75B]  }
0x1b4: {  	[tilespmem:s9], [sflag:$0x3] =	stream.indirect_vreg.gather [hbm4b:s3+s2], $0x80, v26, vm0, $0xb8;
	[tilespmem:$0x8200] =	vst v63  }
0x1b5: {  	v36 =	vperm.xlane v25, v15;
	s9 =	sld [smem:$0x75C];
	v26 =	vadd.s32 v3, v35  }
0x1b6: {  	[tilespmem:s0], [sflag:$0x3] =	stream.indirect_vreg.gather [hbm4b:s3+s2], $0x80, v27, vm0, $0xb8;
	[tilespmem:$0x8200] =	vst v63  }
0x1b7: {  	v37 =	vperm.xlane v25, v16;
	s0 =	sld [smem:$0x75D];
	v27 =	vadd.s32 v3, v36  }
0x1b8: {  	[tilespmem:s9], [sflag:$0x3] =	stream.indirect_vreg.gather [hbm4b:s3+s2], $0x80, v34, vm0, $0xb8;
	[tilespmem:$0x8200] =	vst v63  }
0x1b9: {  	v25 =	vperm.xlane v25, v17;
	v38 =	vadd.s32 v3, v37;
	s9 =	sld [smem:$0x75E]  }
0x1ba: {  	[tilespmem:s0], [sflag:$0x3] =	stream.indirect_vreg.gather [hbm4b:s3+s2], $0x80, v26, vm0, $0xb8;
	[tilespmem:$0x8200] =	vst v63  }
0x1bb: {  	v25 =	vadd.s32 v3, v25;
	s0 =	sld [smem:$0x75F]  }
0x1bc: {  	[tilespmem:s9], [sflag:$0x3] =	stream.indirect_vreg.gather [hbm4b:s3+s2], $0x80, v27, vm0, $0xb8;
	[tilespmem:$0x8200] =	vst v63  }
0x1bd: {  	s9 =	sld [smem:$0x760]  }
0x1be: {  	[tilespmem:s0], [sflag:$0x3] =	stream.indirect_vreg.gather [hbm4b:s3+s2], $0x80, v38, vm0, $0xb8;
	[tilespmem:$0x8200] =	vst v63  }
0x1bf: {  	_ = 	snop  }
0x1c0: {  	[tilespmem:s9], [sflag:$0x3] =	stream.indirect_vreg.gather [hbm4b:s3+s2], $0x80, v25, vm0, $0xb8;
	[tilespmem:$0x8200] =	vst v63  }
0x1c1: {  	v25 =	vld [tilespmem:$0x50];
	_ =	sdelay $0x4  }
0x1c2: {  	v26 =	vshll.u32 v25, $0x5  }
0x1c3: {  	v25 =	vand.u32 $0x7, v25;
	v26 =	vand.u32 $0xFFFFFF00, v26  }
0x1c4: {  	v25 =	vor.u32 v25, v26  }
0x1c5: {  	v26 =	vperm.xlane v25, v2;
	_ =	sdelay $0x1  }
0x1c6: {  	v27 =	vperm.xlane v25, v4;
	v26 =	vadd.s32 v3, v26;
	_ =	sdelay $0x1  }
0x1c7: {  	s8 =	sld [smem:$0x761];
	v39 =	vperm.xlane v25, v5;
	v27 =	vadd.s32 v3, v27;
	_ =	sdelay $0x1  }
0x1c8: {  	s9 =	sld [smem:$0x762];
	v40 =	vperm.xlane v25, v6;
	v28 =	vadd.s32 v3, v39  }
0x1c9: {  	[tilespmem:s8], [sflag:$0x3] =	stream.indirect_vreg.gather [hbm4b:s3+s2], $0x80, v26, vm0, $0xb8;
	[tilespmem:$0x8200] =	vst v63  }
0x1ca: {  	s0 =	sld [smem:$0x763];
	v41 =	vperm.xlane v25, v7;
	v26 =	vadd.s32 v3, v40  }
0x1cb: {  	[tilespmem:s9], [sflag:$0x3] =	stream.indirect_vreg.gather [hbm4b:s3+s2], $0x80, v27, vm0, $0xb8;
	[tilespmem:$0x8200] =	vst v63  }
0x1cc: {  	v42 =	vperm.xlane v25, v1;
	s9 =	sld [smem:$0x764];
	v27 =	vadd.s32 v3, v41  }
0x1cd: {  	[tilespmem:s0], [sflag:$0x3] =	stream.indirect_vreg.gather [hbm4b:s3+s2], $0x80, v28, vm0, $0xb8;
	[tilespmem:$0x8200] =	vst v63  }
0x1ce: {  	v44 =	vperm.xlane v25, v8;
	v43 =	vadd.s32 v3, v42;
	s0 =	sld [smem:$0x765]  }
0x1cf: {  	[tilespmem:s9], [sflag:$0x3] =	stream.indirect_vreg.gather [hbm4b:s3+s2], $0x80, v26, vm0, $0xb8;
	[tilespmem:$0x8200] =	vst v63  }
0x1d0: {  	v45 =	vperm.xlane v25, v0;
	s9 =	sld [smem:$0x766];
	v26 =	vadd.s32 v3, v44  }
0x1d1: {  	[tilespmem:s0], [sflag:$0x3] =	stream.indirect_vreg.gather [hbm4b:s3+s2], $0x80, v27, vm0, $0xb8;
	[tilespmem:$0x8200] =	vst v63  }
0x1d2: {  	v46 =	vperm.xlane v25, v9;
	s0 =	sld [smem:$0x767];
	v27 =	vadd.s32 v3, v45  }
0x1d3: {  	[tilespmem:s9], [sflag:$0x3] =	stream.indirect_vreg.gather [hbm4b:s3+s2], $0x80, v43, vm0, $0xb8;
	[tilespmem:$0x8200] =	vst v63  }
0x1d4: {  	v48 =	vperm.xlane v25, v10;
	v47 =	vadd.s32 v3, v46;
	s9 =	sld [smem:$0x768]  }
0x1d5: {  	[tilespmem:s0], [sflag:$0x3] =	stream.indirect_vreg.gather [hbm4b:s3+s2], $0x80, v26, vm0, $0xb8;
	[tilespmem:$0x8200] =	vst v63  }
0x1d6: {  	v49 =	vperm.xlane v25, v11;
	s0 =	sld [smem:$0x769];
	v26 =	vadd.s32 v3, v48  }
0x1d7: {  	[tilespmem:s9], [sflag:$0x3] =	stream.indirect_vreg.gather [hbm4b:s3+s2], $0x80, v27, vm0, $0xb8;
	[tilespmem:$0x8200] =	vst v63  }
0x1d8: {  	v50 =	vperm.xlane v25, v13;
	s9 =	sld [smem:$0x76A];
	v27 =	vadd.s32 v3, v49  }
0x1d9: {  	[tilespmem:s0], [sflag:$0x3] =	stream.indirect_vreg.gather [hbm4b:s3+s2], $0x80, v47, vm0, $0xb8;
	[tilespmem:$0x8200] =	vst v63  }
0x1da: {  	v52 =	vperm.xlane v25, v14;
	v51 =	vadd.s32 v3, v50;
	s0 =	sld [smem:$0x76B]  }
0x1db: {  	[tilespmem:s9], [sflag:$0x3] =	stream.indirect_vreg.gather [hbm4b:s3+s2], $0x80, v26, vm0, $0xb8;
	[tilespmem:$0x8200] =	vst v63  }
0x1dc: {  	v53 =	vperm.xlane v25, v15;
	s9 =	sld [smem:$0x76C];
	v26 =	vadd.s32 v3, v52  }
0x1dd: {  	[tilespmem:s0], [sflag:$0x3] =	stream.indirect_vreg.gather [hbm4b:s3+s2], $0x80, v27, vm0, $0xb8;
	[tilespmem:$0x8200] =	vst v63  }
0x1de: {  	v54 =	vperm.xlane v25, v16;
	s0 =	sld [smem:$0x76D];
	v27 =	vadd.s32 v3, v53  }
0x1df: {  	[tilespmem:s9], [sflag:$0x3] =	stream.indirect_vreg.gather [hbm4b:s3+s2], $0x80, v51, vm0, $0xb8;
	[tilespmem:$0x8200] =	vst v63  }
0x1e0: {  	v25 =	vperm.xlane v25, v17;
	v55 =	vadd.s32 v3, v54;
	s9 =	sld [smem:$0x76E]  }
0x1e1: {  	[tilespmem:s0], [sflag:$0x3] =	stream.indirect_vreg.gather [hbm4b:s3+s2], $0x80, v26, vm0, $0xb8;
	[tilespmem:$0x8200] =	vst v63  }
0x1e2: {  	v25 =	vadd.s32 v3, v25;
	s0 =	sld [smem:$0x76F]  }
0x1e3: {  	[tilespmem:s9], [sflag:$0x3] =	stream.indirect_vreg.gather [hbm4b:s3+s2], $0x80, v27, vm0, $0xb8;
	[tilespmem:$0x8200] =	vst v63  }
0x1e4: {  	s9 =	sld [smem:$0x770]  }
0x1e5: {  	[tilespmem:s0], [sflag:$0x3] =	stream.indirect_vreg.gather [hbm4b:s3+s2], $0x80, v55, vm0, $0xb8;
	[tilespmem:$0x8200] =	vst v63  }
0x1e6: {  	_ = 	snop  }
0x1e7: {  	[tilespmem:s9], [sflag:$0x3] =	stream.indirect_vreg.gather [hbm4b:s3+s2], $0x80, v25, vm0, $0xb8;
	[tilespmem:$0x8200] =	vst v63  }
0x1e8: {  	v25 =	vld [tilespmem:$0x60];
	_ =	sdelay $0x4  }
0x1e9: {  	v26 =	vshll.u32 v25, $0x5  }
0x1ea: {  	v25 =	vand.u32 $0x7, v25;
	v26 =	vand.u32 $0xFFFFFF00, v26  }
0x1eb: {  	v25 =	vor.u32 v25, v26  }
0x1ec: {  	v26 =	vperm.xlane v25, v2;
	_ =	sdelay $0x1  }
0x1ed: {  	v27 =	vperm.xlane v25, v4;
	v26 =	vadd.s32 v3, v26;
	_ =	sdelay $0x1  }
0x1ee: {  	s8 =	sld [smem:$0x771];
	v56 =	vperm.xlane v25, v5;
	v27 =	vadd.s32 v3, v27;
	_ =	sdelay $0x1  }
0x1ef: {  	s9 =	sld [smem:$0x772];
	v57 =	vperm.xlane v25, v6;
	v28 =	vadd.s32 v3, v56  }
0x1f0: {  	[tilespmem:s8], [sflag:$0x3] =	stream.indirect_vreg.gather [hbm4b:s3+s2], $0x80, v26, vm0, $0xb8;
	[tilespmem:$0x8200] =	vst v63  }
0x1f1: {  	s0 =	sld [smem:$0x773];
	v58 =	vperm.xlane v25, v7;
	v26 =	vadd.s32 v3, v57  }
0x1f2: {  	[tilespmem:s9], [sflag:$0x3] =	stream.indirect_vreg.gather [hbm4b:s3+s2], $0x80, v27, vm0, $0xb8;
	[tilespmem:$0x8200] =	vst v63  }
0x1f3: {  	v59 =	vperm.xlane v25, v1;
	s9 =	sld [smem:$0x774];
	v27 =	vadd.s32 v3, v58  }
0x1f4: {  	[tilespmem:s0], [sflag:$0x3] =	stream.indirect_vreg.gather [hbm4b:s3+s2], $0x80, v28, vm0, $0xb8;
	[tilespmem:$0x8200] =	vst v63  }
0x1f5: {  	v61 =	vperm.xlane v25, v8;
	v60 =	vadd.s32 v3, v59;
	s0 =	sld [smem:$0x775]  }
0x1f6: {  	[tilespmem:s9], [sflag:$0x3] =	stream.indirect_vreg.gather [hbm4b:s3+s2], $0x80, v26, vm0, $0xb8;
	[tilespmem:$0x8200] =	vst v63  }
0x1f7: {  	v62 =	vperm.xlane v25, v0;
	s9 =	sld [smem:$0x776];
	v26 =	vadd.s32 v3, v61  }
0x1f8: {  	[tilespmem:s0], [sflag:$0x3] =	stream.indirect_vreg.gather [hbm4b:s3+s2], $0x80, v27, vm0, $0xb8;
	[tilespmem:$0x8200] =	vst v63  }
0x1f9: {  	v63 =	vperm.xlane v25, v9;
	s0 =	sld [smem:$0x777];
	v27 =	vadd.s32 v3, v62  }
0x1fa: {  	[tilespmem:s9], [sflag:$0x3] =	stream.indirect_vreg.gather [hbm4b:s3+s2], $0x80, v60, vm0, $0xb8;
	[tilespmem:$0x8200] =	vst v63  }
0x1fb: {  	v33 =	vperm.xlane v25, v10;
	v32 =	vadd.s32 v3, v63;
	s9 =	sld [smem:$0x778]  }
0x1fc: {  	[tilespmem:s0], [sflag:$0x3] =	stream.indirect_vreg.gather [hbm4b:s3+s2], $0x80, v26, vm0, $0xb8;
	[tilespmem:$0x8200] =	vst v63  }
0x1fd: {  	v34 =	vperm.xlane v25, v11;
	s0 =	sld [smem:$0x779];
	v26 =	vadd.s32 v3, v33  }
0x1fe: {  	[tilespmem:s9], [sflag:$0x3] =	stream.indirect_vreg.gather [hbm4b:s3+s2], $0x80, v27, vm0, $0xb8;
	[tilespmem:$0x8200] =	vst v63  }
0x1ff: {  	v35 =	vperm.xlane v25, v13;
	s9 =	sld [smem:$0x77A];
	v27 =	vadd.s32 v3, v34  }
0x200: {  	[tilespmem:s0], [sflag:$0x3] =	stream.indirect_vreg.gather [hbm4b:s3+s2], $0x80, v32, vm0, $0xb8;
	[tilespmem:$0x8200] =	vst v63  }
0x201: {  	v37 =	vperm.xlane v25, v14;
	v36 =	vadd.s32 v3, v35;
	s0 =	sld [smem:$0x77B]  }
0x202: {  	[tilespmem:s9], [sflag:$0x3] =	stream.indirect_vreg.gather [hbm4b:s3+s2], $0x80, v26, vm0, $0xb8;
	[tilespmem:$0x8200] =	vst v63  }
0x203: {  	v38 =	vperm.xlane v25, v15;
	s9 =	sld [smem:$0x77C];
	v26 =	vadd.s32 v3, v37  }
0x204: {  	[tilespmem:s0], [sflag:$0x3] =	stream.indirect_vreg.gather [hbm4b:s3+s2], $0x80, v27, vm0, $0xb8;
	[tilespmem:$0x8200] =	vst v63  }
0x205: {  	v39 =	vperm.xlane v25, v16;
	s0 =	sld [smem:$0x77D];
	v27 =	vadd.s32 v3, v38  }
0x206: {  	[tilespmem:s9], [sflag:$0x3] =	stream.indirect_vreg.gather [hbm4b:s3+s2], $0x80, v36, vm0, $0xb8;
	[tilespmem:$0x8200] =	vst v63  }
0x207: {  	v25 =	vperm.xlane v25, v17;
	v40 =	vadd.s32 v3, v39;
	s9 =	sld [smem:$0x77E]  }
0x208: {  	[tilespmem:s0], [sflag:$0x3] =	stream.indirect_vreg.gather [hbm4b:s3+s2], $0x80, v26, vm0, $0xb8;
	[tilespmem:$0x8200] =	vst v63  }
0x209: {  	v25 =	vadd.s32 v3, v25;
	s0 =	sld [smem:$0x77F]  }
0x20a: {  	[tilespmem:s9], [sflag:$0x3] =	stream.indirect_vreg.gather [hbm4b:s3+s2], $0x80, v27, vm0, $0xb8;
	[tilespmem:$0x8200] =	vst v63  }
0x20b: {  	s9 =	sld [smem:$0x780]  }
0x20c: {  	[tilespmem:s0], [sflag:$0x3] =	stream.indirect_vreg.gather [hbm4b:s3+s2], $0x80, v40, vm0, $0xb8;
	[tilespmem:$0x8200] =	vst v63  }
0x20d: {  	_ = 	snop  }
0x20e: {  	[tilespmem:s9], [sflag:$0x3] =	stream.indirect_vreg.gather [hbm4b:s3+s2], $0x80, v25, vm0, $0xb8;
	[tilespmem:$0x8200] =	vst v63  }
0x20f: {  	v25 =	vld [tilespmem:$0x70];
	_ =	sdelay $0x4  }
0x210: {  	v26 =	vshll.u32 v25, $0x5  }
0x211: {  	v25 =	vand.u32 $0x7, v25;
	v26 =	vand.u32 $0xFFFFFF00, v26  }
0x212: {  	v25 =	vor.u32 v25, v26  }
0x213: {  	v26 =	vperm.xlane v25, v2;
	_ =	sdelay $0x1  }
0x214: {  	v27 =	vperm.xlane v25, v4;
	v26 =	vadd.s32 v3, v26;
	_ =	sdelay $0x1  }
0x215: {  	s9 =	sld [smem:$0x781];
	v41 =	vperm.xlane v25, v5;
	v27 =	vadd.s32 v3, v27;
	_ =	sdelay $0x1  }
0x216: {  	s8 =	sld [smem:$0x782];
	v42 =	vperm.xlane v25, v6;
	v28 =	vadd.s32 v3, v41  }
0x217: {  	[tilespmem:s9], [sflag:$0x3] =	stream.indirect_vreg.gather [hbm4b:s3+s2], $0x80, v26, vm0, $0xb8;
	[tilespmem:$0x8200] =	vst v63  }
0x218: {  	v43 =	vperm.xlane v25, v7;
	s9 =	sld [smem:$0x783];
	v26 =	vadd.s32 v3, v42  }
0x219: {  	[tilespmem:s8], [sflag:$0x3] =	stream.indirect_vreg.gather [hbm4b:s3+s2], $0x80, v27, vm0, $0xb8;
	[tilespmem:$0x8200] =	vst v63  }
0x21a: {  	v44 =	vperm.xlane v25, v1;
	s8 =	sld [smem:$0x784];
	v27 =	vadd.s32 v3, v43  }
0x21b: {  	[tilespmem:s9], [sflag:$0x3] =	stream.indirect_vreg.gather [hbm4b:s3+s2], $0x80, v28, vm0, $0xb8;
	[tilespmem:$0x8200] =	vst v63  }
0x21c: {  	v46 =	vperm.xlane v25, v8;
	v45 =	vadd.s32 v3, v44;
	s9 =	sld [smem:$0x785]  }
0x21d: {  	[tilespmem:s8], [sflag:$0x3] =	stream.indirect_vreg.gather [hbm4b:s3+s2], $0x80, v26, vm0, $0xb8;
	[tilespmem:$0x8200] =	vst v63  }
0x21e: {  	v47 =	vperm.xlane v25, v0;
	s8 =	sld [smem:$0x786];
	v26 =	vadd.s32 v3, v46  }
0x21f: {  	[tilespmem:s9], [sflag:$0x3] =	stream.indirect_vreg.gather [hbm4b:s3+s2], $0x80, v27, vm0, $0xb8;
	[tilespmem:$0x8200] =	vst v63  }
0x220: {  	v48 =	vperm.xlane v25, v9;
	s9 =	sld [smem:$0x787];
	v27 =	vadd.s32 v3, v47  }
0x221: {  	[tilespmem:s8], [sflag:$0x3] =	stream.indirect_vreg.gather [hbm4b:s3+s2], $0x80, v45, vm0, $0xb8;
	[tilespmem:$0x8200] =	vst v63  }
0x222: {  	v50 =	vperm.xlane v25, v10;
	v49 =	vadd.s32 v3, v48;
	s8 =	sld [smem:$0x788]  }
0x223: {  	[tilespmem:s9], [sflag:$0x3] =	stream.indirect_vreg.gather [hbm4b:s3+s2], $0x80, v26, vm0, $0xb8;
	[tilespmem:$0x8200] =	vst v63  }
0x224: {  	v51 =	vperm.xlane v25, v11;
	s9 =	sld [smem:$0x789];
	v26 =	vadd.s32 v3, v50  }
0x225: {  	[tilespmem:s8], [sflag:$0x3] =	stream.indirect_vreg.gather [hbm4b:s3+s2], $0x80, v27, vm0, $0xb8;
	[tilespmem:$0x8200] =	vst v63  }
0x226: {  	v52 =	vperm.xlane v25, v13;
	s8 =	sld [smem:$0x78A];
	v27 =	vadd.s32 v3, v51  }
0x227: {  	[tilespmem:s9], [sflag:$0x3] =	stream.indirect_vreg.gather [hbm4b:s3+s2], $0x80, v49, vm0, $0xb8;
	[tilespmem:$0x8200] =	vst v63  }
0x228: {  	v54 =	vperm.xlane v25, v14;
	v53 =	vadd.s32 v3, v52;
	s9 =	sld [smem:$0x78B]  }
0x229: {  	[tilespmem:s8], [sflag:$0x3] =	stream.indirect_vreg.gather [hbm4b:s3+s2], $0x80, v26, vm0, $0xb8;
	[tilespmem:$0x8200] =	vst v63  }
0x22a: {  	v55 =	vperm.xlane v25, v15;
	s8 =	sld [smem:$0x78C];
	v26 =	vadd.s32 v3, v54  }
0x22b: {  	[tilespmem:s9], [sflag:$0x3] =	stream.indirect_vreg.gather [hbm4b:s3+s2], $0x80, v27, vm0, $0xb8;
	[tilespmem:$0x8200] =	vst v63  }
0x22c: {  	v56 =	vperm.xlane v25, v16;
	s9 =	sld [smem:$0x78D];
	v27 =	vadd.s32 v3, v55  }
0x22d: {  	[tilespmem:s8], [sflag:$0x3] =	stream.indirect_vreg.gather [hbm4b:s3+s2], $0x80, v53, vm0, $0xb8;
	[tilespmem:$0x8200] =	vst v63  }
0x22e: {  	v25 =	vperm.xlane v25, v17;
	v57 =	vadd.s32 v3, v56;
	s8 =	sld [smem:$0x78E]  }
0x22f: {  	[tilespmem:s9], [sflag:$0x3] =	stream.indirect_vreg.gather [hbm4b:s3+s2], $0x80, v26, vm0, $0xb8;
	[tilespmem:$0x8200] =	vst v63  }
0x230: {  	v25 =	vadd.s32 v3, v25;
	s9 =	sld [smem:$0x78F]  }
0x231: {  	[tilespmem:s8], [sflag:$0x3] =	stream.indirect_vreg.gather [hbm4b:s3+s2], $0x80, v27, vm0, $0xb8;
	[tilespmem:$0x8200] =	vst v63  }
0x232: {  	s0 =	sld [smem:$0x790]  }
0x233: {  	[tilespmem:s9], [sflag:$0x3] =	stream.indirect_vreg.gather [hbm4b:s3+s2], $0x80, v57, vm0, $0xb8;
	[tilespmem:$0x8200] =	vst v63  }
0x234: {  	s9 =	sld [smem:$0x791]  }
0x235: {  	[tilespmem:s0], [sflag:$0x3] =	stream.indirect_vreg.gather [hbm4b:s3+s2], $0x80, v25, vm0, $0xb8;
	[tilespmem:$0x8200] =	vst v63  }
0x236: {  	s8 =	rddreg [dreg:$0x6]  }
0x237: {  	[tilespmem:s9], [sflag:$0x5] =	stream.linear.gather [hbm4b:s8+s2], $0x80, $0x38;
	[tilespmem:$0x8200] =	vst v63  }
0x238: {  	_ =	swait.ge [sflag:s5], $0x80  }
0x239: {  	[sflag:s5] =	ssyncset.done $0x0  }
0x23a: {  	[sflag:s5] =	ssyncadd.s32 $0xFFFFFF80  }
0x23b: {  	v25 =	vld [tilespmem:$0x80];
	_ =	sdelay $0x2  }
0x23c: {  	v26 =	vld [tilespmem:$0x90]  }
0x23d: {  	v27 =	vld [tilespmem:$0xA0]  }
0x23e: {  	v59 =	vld [tilespmem:$0xB0];
	v58 =	vadd.s32 $0xC350, v25  }
0x23f: {  	v30 =	vld [tilespmem:$0xC0];
	v31 =	vshll.u32 v58, $0x5  }
0x240: {  	v32 =	vld [tilespmem:$0xD0];
	v25 =	vand.u32 $0x7, v25;
	v31 =	vand.u32 $0xFFFFFF00, v31  }
0x241: {  	v60 =	vld [tilespmem:$0xE0];
	v26 =	vadd.s32 $0xC350, v26;
	[tilespmem:$0x100] =	vst v58;
	v25 =	vor.u32 v25, v31  }
0x242: {  	[tilespmem:$0x110] =	vst v26;
	v26 =	vadd.s32 $0xC350, v27;
	v27 =	vld [tilespmem:$0xF0];
	v31 =	vperm.xlane v25, v2  }
0x243: {  	[tilespmem:$0x120] =	vst v26;
	v26 =	vadd.s32 $0xC350, v59  }
0x244: {  	[tilespmem:$0x130] =	vst v26;
	v26 =	vadd.s32 $0xC350, v30;
	v62 =	vperm.xlane v25, v4;
	v61 =	vadd.s32 v3, v31  }
0x245: {  	[tilespmem:$0x140] =	vst v26;
	v26 =	vadd.s32 $0xC350, v32  }
0x246: {  	v33 =	vperm.xlane v25, v5;
	[tilespmem:$0x150] =	vst v26;
	v26 =	vadd.s32 $0xC350, v60;
	v63 =	vadd.s32 v3, v62  }
0x247: {  	[tilespmem:$0x160] =	vst v26;
	v26 =	vadd.s32 $0xC350, v27  }
0x248: {  	s9 =	sld [smem:$0x792];
	v27 =	vperm.xlane v25, v6;
	[tilespmem:$0x170] =	vst v26;
	v26 =	vadd.s32 v3, v33  }
0x249: {  	[tilespmem:s7], [sflag:$0x2] =	stream.indirect_vreg.gather [hbm4b:s3+s2], $0x80, v61, vm0, $0xb8;
	[tilespmem:$0x8200] =	vst v63  }
0x24a: {  	s8 =	sld [smem:$0x793];
	v34 =	vperm.xlane v25, v7;
	v27 =	vadd.s32 v3, v27  }
0x24b: {  	[tilespmem:s9], [sflag:$0x2] =	stream.indirect_vreg.gather [hbm4b:s3+s2], $0x80, v63, vm0, $0xb8;
	[tilespmem:$0x8200] =	vst v63  }
0x24c: {  	v36 =	vperm.xlane v25, v1;
	v35 =	vadd.s32 v3, v34;
	s9 =	sld [smem:$0x794]  }
0x24d: {  	[tilespmem:s8], [sflag:$0x2] =	stream.indirect_vreg.gather [hbm4b:s3+s2], $0x80, v26, vm0, $0xb8;
	[tilespmem:$0x8200] =	vst v63  }
0x24e: {  	v37 =	vperm.xlane v25, v8;
	s8 =	sld [smem:$0x795];
	v26 =	vadd.s32 v3, v36  }
0x24f: {  	[tilespmem:s9], [sflag:$0x2] =	stream.indirect_vreg.gather [hbm4b:s3+s2], $0x80, v27, vm0, $0xb8;
	[tilespmem:$0x8200] =	vst v63  }
0x250: {  	v38 =	vperm.xlane v25, v0;
	s9 =	sld [smem:$0x796];
	v27 =	vadd.s32 v3, v37  }
0x251: {  	[tilespmem:s8], [sflag:$0x2] =	stream.indirect_vreg.gather [hbm4b:s3+s2], $0x80, v35, vm0, $0xb8;
	[tilespmem:$0x8200] =	vst v63  }
0x252: {  	v40 =	vperm.xlane v25, v9;
	v39 =	vadd.s32 v3, v38;
	s8 =	sld [smem:$0x797]  }
0x253: {  	[tilespmem:s9], [sflag:$0x2] =	stream.indirect_vreg.gather [hbm4b:s3+s2], $0x80, v26, vm0, $0xb8;
	[tilespmem:$0x8200] =	vst v63  }
0x254: {  	v41 =	vperm.xlane v25, v10;
	s9 =	sld [smem:$0x798];
	v26 =	vadd.s32 v3, v40  }
0x255: {  	[tilespmem:s8], [sflag:$0x2] =	stream.indirect_vreg.gather [hbm4b:s3+s2], $0x80, v27, vm0, $0xb8;
	[tilespmem:$0x8200] =	vst v63  }
0x256: {  	v42 =	vperm.xlane v25, v11;
	s8 =	sld [smem:$0x799];
	v27 =	vadd.s32 v3, v41  }
0x257: {  	[tilespmem:s9], [sflag:$0x2] =	stream.indirect_vreg.gather [hbm4b:s3+s2], $0x80, v39, vm0, $0xb8;
	[tilespmem:$0x8200] =	vst v63  }
0x258: {  	v44 =	vperm.xlane v25, v13;
	v43 =	vadd.s32 v3, v42;
	s9 =	sld [smem:$0x79A]  }
0x259: {  	[tilespmem:s8], [sflag:$0x2] =	stream.indirect_vreg.gather [hbm4b:s3+s2], $0x80, v26, vm0, $0xb8;
	[tilespmem:$0x8200] =	vst v63  }
0x25a: {  	v45 =	vperm.xlane v25, v14;
	s8 =	sld [smem:$0x79B];
	v26 =	vadd.s32 v3, v44  }
0x25b: {  	[tilespmem:s9], [sflag:$0x2] =	stream.indirect_vreg.gather [hbm4b:s3+s2], $0x80, v27, vm0, $0xb8;
	[tilespmem:$0x8200] =	vst v63  }
0x25c: {  	v46 =	vperm.xlane v25, v15;
	s9 =	sld [smem:$0x79C];
	v27 =	vadd.s32 v3, v45  }
0x25d: {  	[tilespmem:s8], [sflag:$0x2] =	stream.indirect_vreg.gather [hbm4b:s3+s2], $0x80, v43, vm0, $0xb8;
	[tilespmem:$0x8200] =	vst v63  }
0x25e: {  	v48 =	vperm.xlane v25, v16;
	v47 =	vadd.s32 v3, v46;
	s8 =	sld [smem:$0x79D]  }
0x25f: {  	[tilespmem:s9], [sflag:$0x2] =	stream.indirect_vreg.gather [hbm4b:s3+s2], $0x80, v26, vm0, $0xb8;
	[tilespmem:$0x8200] =	vst v63  }
0x260: {  	v25 =	vperm.xlane v25, v17;
	s9 =	sld [smem:$0x79E];
	v26 =	vadd.s32 v3, v48  }
0x261: {  	[tilespmem:s8], [sflag:$0x2] =	stream.indirect_vreg.gather [hbm4b:s3+s2], $0x80, v27, vm0, $0xb8;
	[tilespmem:$0x8200] =	vst v63  }
0x262: {  	v25 =	vadd.s32 v3, v25;
	s8 =	sld [smem:$0x79F]  }
0x263: {  	[tilespmem:s9], [sflag:$0x2] =	stream.indirect_vreg.gather [hbm4b:s3+s2], $0x80, v47, vm0, $0xb8;
	[tilespmem:$0x8200] =	vst v63  }
0x264: {  	s9 =	sld [smem:$0x7A0]  }
0x265: {  	[tilespmem:s8], [sflag:$0x2] =	stream.indirect_vreg.gather [hbm4b:s3+s2], $0x80, v26, vm0, $0xb8;
	[tilespmem:$0x8200] =	vst v63  }
0x266: {  	_ = 	snop  }
0x267: {  	[tilespmem:s9], [sflag:$0x2] =	stream.indirect_vreg.gather [hbm4b:s3+s2], $0x80, v25, vm0, $0xb8;
	[tilespmem:$0x8200] =	vst v63  }
0x268: {  	v25 =	vld [tilespmem:$0x110];
	_ =	sdelay $0x4  }
0x269: {  	v26 =	vshll.u32 v25, $0x5  }
0x26a: {  	v25 =	vand.u32 $0x7, v25;
	v26 =	vand.u32 $0xFFFFFF00, v26  }
0x26b: {  	v25 =	vor.u32 v25, v26  }
0x26c: {  	v26 =	vperm.xlane v25, v2;
	_ =	sdelay $0x1  }
0x26d: {  	v27 =	vperm.xlane v25, v4;
	v26 =	vadd.s32 v3, v26;
	_ =	sdelay $0x1  }
0x26e: {  	s8 =	sld [smem:$0x7A1];
	v49 =	vperm.xlane v25, v5;
	v27 =	vadd.s32 v3, v27;
	_ =	sdelay $0x1  }
0x26f: {  	s9 =	sld [smem:$0x7A2];
	v50 =	vperm.xlane v25, v6;
	v28 =	vadd.s32 v3, v49  }
0x270: {  	[tilespmem:s8], [sflag:$0x2] =	stream.indirect_vreg.gather [hbm4b:s3+s2], $0x80, v26, vm0, $0xb8;
	[tilespmem:$0x8200] =	vst v63  }
0x271: {  	s0 =	sld [smem:$0x7A3];
	v51 =	vperm.xlane v25, v7;
	v26 =	vadd.s32 v3, v50  }
0x272: {  	[tilespmem:s9], [sflag:$0x2] =	stream.indirect_vreg.gather [hbm4b:s3+s2], $0x80, v27, vm0, $0xb8;
	[tilespmem:$0x8200] =	vst v63  }
0x273: {  	v52 =	vperm.xlane v25, v1;
	s9 =	sld [smem:$0x7A4];
	v27 =	vadd.s32 v3, v51  }
0x274: {  	[tilespmem:s0], [sflag:$0x2] =	stream.indirect_vreg.gather [hbm4b:s3+s2], $0x80, v28, vm0, $0xb8;
	[tilespmem:$0x8200] =	vst v63  }
0x275: {  	v54 =	vperm.xlane v25, v8;
	v53 =	vadd.s32 v3, v52;
	s0 =	sld [smem:$0x7A5]  }
0x276: {  	[tilespmem:s9], [sflag:$0x2] =	stream.indirect_vreg.gather [hbm4b:s3+s2], $0x80, v26, vm0, $0xb8;
	[tilespmem:$0x8200] =	vst v63  }
0x277: {  	v55 =	vperm.xlane v25, v0;
	s9 =	sld [smem:$0x7A6];
	v26 =	vadd.s32 v3, v54  }
0x278: {  	[tilespmem:s0], [sflag:$0x2] =	stream.indirect_vreg.gather [hbm4b:s3+s2], $0x80, v27, vm0, $0xb8;
	[tilespmem:$0x8200] =	vst v63  }
0x279: {  	v56 =	vperm.xlane v25, v9;
	s0 =	sld [smem:$0x7A7];
	v27 =	vadd.s32 v3, v55  }
0x27a: {  	[tilespmem:s9], [sflag:$0x2] =	stream.indirect_vreg.gather [hbm4b:s3+s2], $0x80, v53, vm0, $0xb8;
	[tilespmem:$0x8200] =	vst v63  }
0x27b: {  	v58 =	vperm.xlane v25, v10;
	v57 =	vadd.s32 v3, v56;
	s9 =	sld [smem:$0x7A8]  }
0x27c: {  	[tilespmem:s0], [sflag:$0x2] =	stream.indirect_vreg.gather [hbm4b:s3+s2], $0x80, v26, vm0, $0xb8;
	[tilespmem:$0x8200] =	vst v63  }
0x27d: {  	v59 =	vperm.xlane v25, v11;
	s0 =	sld [smem:$0x7A9];
	v26 =	vadd.s32 v3, v58  }
0x27e: {  	[tilespmem:s9], [sflag:$0x2] =	stream.indirect_vreg.gather [hbm4b:s3+s2], $0x80, v27, vm0, $0xb8;
	[tilespmem:$0x8200] =	vst v63  }
0x27f: {  	v60 =	vperm.xlane v25, v13;
	s9 =	sld [smem:$0x7AA];
	v27 =	vadd.s32 v3, v59  }
0x280: {  	[tilespmem:s0], [sflag:$0x2] =	stream.indirect_vreg.gather [hbm4b:s3+s2], $0x80, v57, vm0, $0xb8;
	[tilespmem:$0x8200] =	vst v63  }
0x281: {  	v62 =	vperm.xlane v25, v14;
	v61 =	vadd.s32 v3, v60;
	s0 =	sld [smem:$0x7AB]  }
0x282: {  	[tilespmem:s9], [sflag:$0x2] =	stream.indirect_vreg.gather [hbm4b:s3+s2], $0x80, v26, vm0, $0xb8;
	[tilespmem:$0x8200] =	vst v63  }
0x283: {  	v63 =	vperm.xlane v25, v15;
	s9 =	sld [smem:$0x7AC];
	v26 =	vadd.s32 v3, v62  }
0x284: {  	[tilespmem:s0], [sflag:$0x2] =	stream.indirect_vreg.gather [hbm4b:s3+s2], $0x80, v27, vm0, $0xb8;
	[tilespmem:$0x8200] =	vst v63  }
0x285: {  	v32 =	vperm.xlane v25, v16;
	s0 =	sld [smem:$0x7AD];
	v27 =	vadd.s32 v3, v63  }
0x286: {  	[tilespmem:s9], [sflag:$0x2] =	stream.indirect_vreg.gather [hbm4b:s3+s2], $0x80, v61, vm0, $0xb8;
	[tilespmem:$0x8200] =	vst v63  }
0x287: {  	v25 =	vperm.xlane v25, v17;
	v33 =	vadd.s32 v3, v32;
	s9 =	sld [smem:$0x7AE]  }
0x288: {  	[tilespmem:s0], [sflag:$0x2] =	stream.indirect_vreg.gather [hbm4b:s3+s2], $0x80, v26, vm0, $0xb8;
	[tilespmem:$0x8200] =	vst v63  }
0x289: {  	v25 =	vadd.s32 v3, v25;
	s0 =	sld [smem:$0x7AF]  }
0x28a: {  	[tilespmem:s9], [sflag:$0x2] =	stream.indirect_vreg.gather [hbm4b:s3+s2], $0x80, v27, vm0, $0xb8;
	[tilespmem:$0x8200] =	vst v63  }
0x28b: {  	s9 =	sld [smem:$0x7B0]  }
0x28c: {  	[tilespmem:s0], [sflag:$0x2] =	stream.indirect_vreg.gather [hbm4b:s3+s2], $0x80, v33, vm0, $0xb8;
	[tilespmem:$0x8200] =	vst v63  }
0x28d: {  	_ = 	snop  }
0x28e: {  	[tilespmem:s9], [sflag:$0x2] =	stream.indirect_vreg.gather [hbm4b:s3+s2], $0x80, v25, vm0, $0xb8;
	[tilespmem:$0x8200] =	vst v63  }
0x28f: {  	v25 =	vld [tilespmem:$0x120];
	_ =	sdelay $0x4  }
0x290: {  	v26 =	vshll.u32 v25, $0x5  }
0x291: {  	v25 =	vand.u32 $0x7, v25;
	v26 =	vand.u32 $0xFFFFFF00, v26  }
0x292: {  	v25 =	vor.u32 v25, v26  }
0x293: {  	v26 =	vperm.xlane v25, v2;
	_ =	sdelay $0x1  }
0x294: {  	v27 =	vperm.xlane v25, v4;
	v26 =	vadd.s32 v3, v26;
	_ =	sdelay $0x1  }
0x295: {  	s8 =	sld [smem:$0x7B1];
	v34 =	vperm.xlane v25, v5;
	v27 =	vadd.s32 v3, v27;
	_ =	sdelay $0x1  }
0x296: {  	s9 =	sld [smem:$0x7B2];
	v35 =	vperm.xlane v25, v6;
	v28 =	vadd.s32 v3, v34  }
0x297: {  	[tilespmem:s8], [sflag:$0x2] =	stream.indirect_vreg.gather [hbm4b:s3+s2], $0x80, v26, vm0, $0xb8;
	[tilespmem:$0x8200] =	vst v63  }
0x298: {  	s0 =	sld [smem:$0x7B3];
	v36 =	vperm.xlane v25, v7;
	v26 =	vadd.s32 v3, v35  }
0x299: {  	[tilespmem:s9], [sflag:$0x2] =	stream.indirect_vreg.gather [hbm4b:s3+s2], $0x80, v27, vm0, $0xb8;
	[tilespmem:$0x8200] =	vst v63  }
0x29a: {  	v37 =	vperm.xlane v25, v1;
	s9 =	sld [smem:$0x7B4];
	v27 =	vadd.s32 v3, v36  }
0x29b: {  	[tilespmem:s0], [sflag:$0x2] =	stream.indirect_vreg.gather [hbm4b:s3+s2], $0x80, v28, vm0, $0xb8;
	[tilespmem:$0x8200] =	vst v63  }
0x29c: {  	v39 =	vperm.xlane v25, v8;
	v38 =	vadd.s32 v3, v37;
	s0 =	sld [smem:$0x7B5]  }
0x29d: {  	[tilespmem:s9], [sflag:$0x2] =	stream.indirect_vreg.gather [hbm4b:s3+s2], $0x80, v26, vm0, $0xb8;
	[tilespmem:$0x8200] =	vst v63  }
0x29e: {  	v40 =	vperm.xlane v25, v0;
	s9 =	sld [smem:$0x7B6];
	v26 =	vadd.s32 v3, v39  }
0x29f: {  	[tilespmem:s0], [sflag:$0x2] =	stream.indirect_vreg.gather [hbm4b:s3+s2], $0x80, v27, vm0, $0xb8;
	[tilespmem:$0x8200] =	vst v63  }
0x2a0: {  	v41 =	vperm.xlane v25, v9;
	s0 =	sld [smem:$0x7B7];
	v27 =	vadd.s32 v3, v40  }
0x2a1: {  	[tilespmem:s9], [sflag:$0x2] =	stream.indirect_vreg.gather [hbm4b:s3+s2], $0x80, v38, vm0, $0xb8;
	[tilespmem:$0x8200] =	vst v63  }
0x2a2: {  	v43 =	vperm.xlane v25, v10;
	v42 =	vadd.s32 v3, v41;
	s9 =	sld [smem:$0x7B8]  }
0x2a3: {  	[tilespmem:s0], [sflag:$0x2] =	stream.indirect_vreg.gather [hbm4b:s3+s2], $0x80, v26, vm0, $0xb8;
	[tilespmem:$0x8200] =	vst v63  }
0x2a4: {  	v44 =	vperm.xlane v25, v11;
	s0 =	sld [smem:$0x7B9];
	v26 =	vadd.s32 v3, v43  }
0x2a5: {  	[tilespmem:s9], [sflag:$0x2] =	stream.indirect_vreg.gather [hbm4b:s3+s2], $0x80, v27, vm0, $0xb8;
	[tilespmem:$0x8200] =	vst v63  }
0x2a6: {  	v45 =	vperm.xlane v25, v13;
	s9 =	sld [smem:$0x7BA];
	v27 =	vadd.s32 v3, v44  }
0x2a7: {  	[tilespmem:s0], [sflag:$0x2] =	stream.indirect_vreg.gather [hbm4b:s3+s2], $0x80, v42, vm0, $0xb8;
	[tilespmem:$0x8200] =	vst v63  }
0x2a8: {  	v47 =	vperm.xlane v25, v14;
	v46 =	vadd.s32 v3, v45;
	s0 =	sld [smem:$0x7BB]  }
0x2a9: {  	[tilespmem:s9], [sflag:$0x2] =	stream.indirect_vreg.gather [hbm4b:s3+s2], $0x80, v26, vm0, $0xb8;
	[tilespmem:$0x8200] =	vst v63  }
0x2aa: {  	v48 =	vperm.xlane v25, v15;
	s9 =	sld [smem:$0x7BC];
	v26 =	vadd.s32 v3, v47  }
0x2ab: {  	[tilespmem:s0], [sflag:$0x2] =	stream.indirect_vreg.gather [hbm4b:s3+s2], $0x80, v27, vm0, $0xb8;
	[tilespmem:$0x8200] =	vst v63  }
0x2ac: {  	v49 =	vperm.xlane v25, v16;
	s0 =	sld [smem:$0x7BD];
	v27 =	vadd.s32 v3, v48  }
0x2ad: {  	[tilespmem:s9], [sflag:$0x2] =	stream.indirect_vreg.gather [hbm4b:s3+s2], $0x80, v46, vm0, $0xb8;
	[tilespmem:$0x8200] =	vst v63  }
0x2ae: {  	v25 =	vperm.xlane v25, v17;
	v50 =	vadd.s32 v3, v49;
	s9 =	sld [smem:$0x7BE]  }
0x2af: {  	[tilespmem:s0], [sflag:$0x2] =	stream.indirect_vreg.gather [hbm4b:s3+s2], $0x80, v26, vm0, $0xb8;
	[tilespmem:$0x8200] =	vst v63  }
0x2b0: {  	v25 =	vadd.s32 v3, v25;
	s0 =	sld [smem:$0x7BF]  }
0x2b1: {  	[tilespmem:s9], [sflag:$0x2] =	stream.indirect_vreg.gather [hbm4b:s3+s2], $0x80, v27, vm0, $0xb8;
	[tilespmem:$0x8200] =	vst v63  }
0x2b2: {  	s9 =	sld [smem:$0x7C0]  }
0x2b3: {  	[tilespmem:s0], [sflag:$0x2] =	stream.indirect_vreg.gather [hbm4b:s3+s2], $0x80, v50, vm0, $0xb8;
	[tilespmem:$0x8200] =	vst v63  }
0x2b4: {  	_ = 	snop  }
0x2b5: {  	[tilespmem:s9], [sflag:$0x2] =	stream.indirect_vreg.gather [hbm4b:s3+s2], $0x80, v25, vm0, $0xb8;
	[tilespmem:$0x8200] =	vst v63  }
0x2b6: {  	v25 =	vld [tilespmem:$0x130];
	_ =	sdelay $0x4  }
0x2b7: {  	v26 =	vshll.u32 v25, $0x5  }
0x2b8: {  	v25 =	vand.u32 $0x7, v25;
	v26 =	vand.u32 $0xFFFFFF00, v26  }
0x2b9: {  	v25 =	vor.u32 v25, v26  }
0x2ba: {  	v26 =	vperm.xlane v25, v2;
	_ =	sdelay $0x1  }
0x2bb: {  	v27 =	vperm.xlane v25, v4;
	v26 =	vadd.s32 v3, v26;
	_ =	sdelay $0x1  }
0x2bc: {  	s8 =	sld [smem:$0x7C1];
	v51 =	vperm.xlane v25, v5;
	v27 =	vadd.s32 v3, v27;
	_ =	sdelay $0x1  }
0x2bd: {  	s9 =	sld [smem:$0x7C2];
	v52 =	vperm.xlane v25, v6;
	v28 =	vadd.s32 v3, v51  }
0x2be: {  	[tilespmem:s8], [sflag:$0x2] =	stream.indirect_vreg.gather [hbm4b:s3+s2], $0x80, v26, vm0, $0xb8;
	[tilespmem:$0x8200] =	vst v63  }
0x2bf: {  	s0 =	sld [smem:$0x7C3];
	v53 =	vperm.xlane v25, v7;
	v26 =	vadd.s32 v3, v52  }
0x2c0: {  	[tilespmem:s9], [sflag:$0x2] =	stream.indirect_vreg.gather [hbm4b:s3+s2], $0x80, v27, vm0, $0xb8;
	[tilespmem:$0x8200] =	vst v63  }
0x2c1: {  	v54 =	vperm.xlane v25, v1;
	s9 =	sld [smem:$0x7C4];
	v27 =	vadd.s32 v3, v53  }
0x2c2: {  	[tilespmem:s0], [sflag:$0x2] =	stream.indirect_vreg.gather [hbm4b:s3+s2], $0x80, v28, vm0, $0xb8;
	[tilespmem:$0x8200] =	vst v63  }
0x2c3: {  	v56 =	vperm.xlane v25, v8;
	v55 =	vadd.s32 v3, v54;
	s0 =	sld [smem:$0x7C5]  }
0x2c4: {  	[tilespmem:s9], [sflag:$0x2] =	stream.indirect_vreg.gather [hbm4b:s3+s2], $0x80, v26, vm0, $0xb8;
	[tilespmem:$0x8200] =	vst v63  }
0x2c5: {  	v57 =	vperm.xlane v25, v0;
	s9 =	sld [smem:$0x7C6];
	v26 =	vadd.s32 v3, v56  }
0x2c6: {  	[tilespmem:s0], [sflag:$0x2] =	stream.indirect_vreg.gather [hbm4b:s3+s2], $0x80, v27, vm0, $0xb8;
	[tilespmem:$0x8200] =	vst v63  }
0x2c7: {  	v58 =	vperm.xlane v25, v9;
	s0 =	sld [smem:$0x7C7];
	v27 =	vadd.s32 v3, v57  }
0x2c8: {  	[tilespmem:s9], [sflag:$0x2] =	stream.indirect_vreg.gather [hbm4b:s3+s2], $0x80, v55, vm0, $0xb8;
	[tilespmem:$0x8200] =	vst v63  }
0x2c9: {  	v60 =	vperm.xlane v25, v10;
	v59 =	vadd.s32 v3, v58;
	s9 =	sld [smem:$0x7C8]  }
0x2ca: {  	[tilespmem:s0], [sflag:$0x2] =	stream.indirect_vreg.gather [hbm4b:s3+s2], $0x80, v26, vm0, $0xb8;
	[tilespmem:$0x8200] =	vst v63  }
0x2cb: {  	v61 =	vperm.xlane v25, v11;
	s0 =	sld [smem:$0x7C9];
	v26 =	vadd.s32 v3, v60  }
0x2cc: {  	[tilespmem:s9], [sflag:$0x2] =	stream.indirect_vreg.gather [hbm4b:s3+s2], $0x80, v27, vm0, $0xb8;
	[tilespmem:$0x8200] =	vst v63  }
0x2cd: {  	v62 =	vperm.xlane v25, v13;
	s9 =	sld [smem:$0x7CA];
	v27 =	vadd.s32 v3, v61  }
0x2ce: {  	[tilespmem:s0], [sflag:$0x2] =	stream.indirect_vreg.gather [hbm4b:s3+s2], $0x80, v59, vm0, $0xb8;
	[tilespmem:$0x8200] =	vst v63  }
0x2cf: {  	v32 =	vperm.xlane v25, v14;
	v63 =	vadd.s32 v3, v62;
	s0 =	sld [smem:$0x7CB]  }
0x2d0: {  	[tilespmem:s9], [sflag:$0x2] =	stream.indirect_vreg.gather [hbm4b:s3+s2], $0x80, v26, vm0, $0xb8;
	[tilespmem:$0x8200] =	vst v63  }
0x2d1: {  	v33 =	vperm.xlane v25, v15;
	s9 =	sld [smem:$0x7CC];
	v26 =	vadd.s32 v3, v32  }
0x2d2: {  	[tilespmem:s0], [sflag:$0x2] =	stream.indirect_vreg.gather [hbm4b:s3+s2], $0x80, v27, vm0, $0xb8;
	[tilespmem:$0x8200] =	vst v63  }
0x2d3: {  	v34 =	vperm.xlane v25, v16;
	s0 =	sld [smem:$0x7CD];
	v27 =	vadd.s32 v3, v33  }
0x2d4: {  	[tilespmem:s9], [sflag:$0x2] =	stream.indirect_vreg.gather [hbm4b:s3+s2], $0x80, v63, vm0, $0xb8;
	[tilespmem:$0x8200] =	vst v63  }
0x2d5: {  	v25 =	vperm.xlane v25, v17;
	v35 =	vadd.s32 v3, v34;
	s9 =	sld [smem:$0x7CE]  }
0x2d6: {  	[tilespmem:s0], [sflag:$0x2] =	stream.indirect_vreg.gather [hbm4b:s3+s2], $0x80, v26, vm0, $0xb8;
	[tilespmem:$0x8200] =	vst v63  }
0x2d7: {  	v25 =	vadd.s32 v3, v25;
	s0 =	sld [smem:$0x7CF]  }
0x2d8: {  	[tilespmem:s9], [sflag:$0x2] =	stream.indirect_vreg.gather [hbm4b:s3+s2], $0x80, v27, vm0, $0xb8;
	[tilespmem:$0x8200] =	vst v63  }
0x2d9: {  	s9 =	sld [smem:$0x7D0]  }
0x2da: {  	[tilespmem:s0], [sflag:$0x2] =	stream.indirect_vreg.gather [hbm4b:s3+s2], $0x80, v35, vm0, $0xb8;
	[tilespmem:$0x8200] =	vst v63  }
0x2db: {  	_ = 	snop  }
0x2dc: {  	[tilespmem:s9], [sflag:$0x2] =	stream.indirect_vreg.gather [hbm4b:s3+s2], $0x80, v25, vm0, $0xb8;
	[tilespmem:$0x8200] =	vst v63  }
0x2dd: {  	v25 =	vld [tilespmem:$0x140];
	_ =	sdelay $0x4  }
0x2de: {  	v26 =	vshll.u32 v25, $0x5  }
0x2df: {  	v25 =	vand.u32 $0x7, v25;
	v26 =	vand.u32 $0xFFFFFF00, v26  }
0x2e0: {  	v25 =	vor.u32 v25, v26  }
0x2e1: {  	v26 =	vperm.xlane v25, v2;
	_ =	sdelay $0x1  }
0x2e2: {  	v27 =	vperm.xlane v25, v4;
	v26 =	vadd.s32 v3, v26;
	_ =	sdelay $0x1  }
0x2e3: {  	s8 =	sld [smem:$0x7D1];
	v36 =	vperm.xlane v25, v5;
	v27 =	vadd.s32 v3, v27;
	_ =	sdelay $0x1  }
0x2e4: {  	s9 =	sld [smem:$0x7D2];
	v37 =	vperm.xlane v25, v6;
	v28 =	vadd.s32 v3, v36  }
0x2e5: {  	[tilespmem:s8], [sflag:$0x4] =	stream.indirect_vreg.gather [hbm4b:s3+s2], $0x80, v26, vm0, $0xb8;
	[tilespmem:$0x8200] =	vst v63  }
0x2e6: {  	s0 =	sld [smem:$0x7D3];
	v38 =	vperm.xlane v25, v7;
	v26 =	vadd.s32 v3, v37  }
0x2e7: {  	[tilespmem:s9], [sflag:$0x4] =	stream.indirect_vreg.gather [hbm4b:s3+s2], $0x80, v27, vm0, $0xb8;
	[tilespmem:$0x8200] =	vst v63  }
0x2e8: {  	v39 =	vperm.xlane v25, v1;
	s9 =	sld [smem:$0x7D4];
	v27 =	vadd.s32 v3, v38  }
0x2e9: {  	[tilespmem:s0], [sflag:$0x4] =	stream.indirect_vreg.gather [hbm4b:s3+s2], $0x80, v28, vm0, $0xb8;
	[tilespmem:$0x8200] =	vst v63  }
0x2ea: {  	v41 =	vperm.xlane v25, v8;
	v40 =	vadd.s32 v3, v39;
	s0 =	sld [smem:$0x7D5]  }
0x2eb: {  	[tilespmem:s9], [sflag:$0x4] =	stream.indirect_vreg.gather [hbm4b:s3+s2], $0x80, v26, vm0, $0xb8;
	[tilespmem:$0x8200] =	vst v63  }
0x2ec: {  	v42 =	vperm.xlane v25, v0;
	s9 =	sld [smem:$0x7D6];
	v26 =	vadd.s32 v3, v41  }
0x2ed: {  	[tilespmem:s0], [sflag:$0x4] =	stream.indirect_vreg.gather [hbm4b:s3+s2], $0x80, v27, vm0, $0xb8;
	[tilespmem:$0x8200] =	vst v63  }
0x2ee: {  	v43 =	vperm.xlane v25, v9;
	s0 =	sld [smem:$0x7D7];
	v27 =	vadd.s32 v3, v42  }
0x2ef: {  	[tilespmem:s9], [sflag:$0x4] =	stream.indirect_vreg.gather [hbm4b:s3+s2], $0x80, v40, vm0, $0xb8;
	[tilespmem:$0x8200] =	vst v63  }
0x2f0: {  	v45 =	vperm.xlane v25, v10;
	v44 =	vadd.s32 v3, v43;
	s9 =	sld [smem:$0x7D8]  }
0x2f1: {  	[tilespmem:s0], [sflag:$0x4] =	stream.indirect_vreg.gather [hbm4b:s3+s2], $0x80, v26, vm0, $0xb8;
	[tilespmem:$0x8200] =	vst v63  }
0x2f2: {  	v46 =	vperm.xlane v25, v11;
	s0 =	sld [smem:$0x7D9];
	v26 =	vadd.s32 v3, v45  }
0x2f3: {  	[tilespmem:s9], [sflag:$0x4] =	stream.indirect_vreg.gather [hbm4b:s3+s2], $0x80, v27, vm0, $0xb8;
	[tilespmem:$0x8200] =	vst v63  }
0x2f4: {  	v47 =	vperm.xlane v25, v13;
	s9 =	sld [smem:$0x7DA];
	v27 =	vadd.s32 v3, v46  }
0x2f5: {  	[tilespmem:s0], [sflag:$0x4] =	stream.indirect_vreg.gather [hbm4b:s3+s2], $0x80, v44, vm0, $0xb8;
	[tilespmem:$0x8200] =	vst v63  }
0x2f6: {  	v49 =	vperm.xlane v25, v14;
	v48 =	vadd.s32 v3, v47;
	s0 =	sld [smem:$0x7DB]  }
0x2f7: {  	[tilespmem:s9], [sflag:$0x4] =	stream.indirect_vreg.gather [hbm4b:s3+s2], $0x80, v26, vm0, $0xb8;
	[tilespmem:$0x8200] =	vst v63  }
0x2f8: {  	v50 =	vperm.xlane v25, v15;
	s9 =	sld [smem:$0x7DC];
	v26 =	vadd.s32 v3, v49  }
0x2f9: {  	[tilespmem:s0], [sflag:$0x4] =	stream.indirect_vreg.gather [hbm4b:s3+s2], $0x80, v27, vm0, $0xb8;
	[tilespmem:$0x8200] =	vst v63  }
0x2fa: {  	v51 =	vperm.xlane v25, v16;
	s0 =	sld [smem:$0x7DD];
	v27 =	vadd.s32 v3, v50  }
0x2fb: {  	[tilespmem:s9], [sflag:$0x4] =	stream.indirect_vreg.gather [hbm4b:s3+s2], $0x80, v48, vm0, $0xb8;
	[tilespmem:$0x8200] =	vst v63  }
0x2fc: {  	v25 =	vperm.xlane v25, v17;
	v52 =	vadd.s32 v3, v51;
	s9 =	sld [smem:$0x7DE]  }
0x2fd: {  	[tilespmem:s0], [sflag:$0x4] =	stream.indirect_vreg.gather [hbm4b:s3+s2], $0x80, v26, vm0, $0xb8;
	[tilespmem:$0x8200] =	vst v63  }
0x2fe: {  	v25 =	vadd.s32 v3, v25;
	s0 =	sld [smem:$0x7DF]  }
0x2ff: {  	[tilespmem:s9], [sflag:$0x4] =	stream.indirect_vreg.gather [hbm4b:s3+s2], $0x80, v27, vm0, $0xb8;
	[tilespmem:$0x8200] =	vst v63  }
0x300: {  	s9 =	sld [smem:$0x7E0]  }
0x301: {  	[tilespmem:s0], [sflag:$0x4] =	stream.indirect_vreg.gather [hbm4b:s3+s2], $0x80, v52, vm0, $0xb8;
	[tilespmem:$0x8200] =	vst v63  }
0x302: {  	_ = 	snop  }
0x303: {  	[tilespmem:s9], [sflag:$0x4] =	stream.indirect_vreg.gather [hbm4b:s3+s2], $0x80, v25, vm0, $0xb8;
	[tilespmem:$0x8200] =	vst v63  }
0x304: {  	v25 =	vld [tilespmem:$0x150];
	_ =	sdelay $0x4  }
0x305: {  	v26 =	vshll.u32 v25, $0x5  }
0x306: {  	v25 =	vand.u32 $0x7, v25;
	v26 =	vand.u32 $0xFFFFFF00, v26  }
0x307: {  	v25 =	vor.u32 v25, v26  }
0x308: {  	v26 =	vperm.xlane v25, v2;
	_ =	sdelay $0x1  }
0x309: {  	v27 =	vperm.xlane v25, v4;
	v26 =	vadd.s32 v3, v26;
	_ =	sdelay $0x1  }
0x30a: {  	s8 =	sld [smem:$0x7E1];
	v53 =	vperm.xlane v25, v5;
	v27 =	vadd.s32 v3, v27;
	_ =	sdelay $0x1  }
0x30b: {  	s9 =	sld [smem:$0x7E2];
	v54 =	vperm.xlane v25, v6;
	v28 =	vadd.s32 v3, v53  }
0x30c: {  	[tilespmem:s8], [sflag:$0x4] =	stream.indirect_vreg.gather [hbm4b:s3+s2], $0x80, v26, vm0, $0xb8;
	[tilespmem:$0x8200] =	vst v63  }
0x30d: {  	s0 =	sld [smem:$0x7E3];
	v55 =	vperm.xlane v25, v7;
	v26 =	vadd.s32 v3, v54  }
0x30e: {  	[tilespmem:s9], [sflag:$0x4] =	stream.indirect_vreg.gather [hbm4b:s3+s2], $0x80, v27, vm0, $0xb8;
	[tilespmem:$0x8200] =	vst v63  }
0x30f: {  	v56 =	vperm.xlane v25, v1;
	s9 =	sld [smem:$0x7E4];
	v27 =	vadd.s32 v3, v55  }
0x310: {  	[tilespmem:s0], [sflag:$0x4] =	stream.indirect_vreg.gather [hbm4b:s3+s2], $0x80, v28, vm0, $0xb8;
	[tilespmem:$0x8200] =	vst v63  }
0x311: {  	v58 =	vperm.xlane v25, v8;
	v57 =	vadd.s32 v3, v56;
	s0 =	sld [smem:$0x7E5]  }
0x312: {  	[tilespmem:s9], [sflag:$0x4] =	stream.indirect_vreg.gather [hbm4b:s3+s2], $0x80, v26, vm0, $0xb8;
	[tilespmem:$0x8200] =	vst v63  }
0x313: {  	v59 =	vperm.xlane v25, v0;
	s9 =	sld [smem:$0x7E6];
	v26 =	vadd.s32 v3, v58  }
0x314: {  	[tilespmem:s0], [sflag:$0x4] =	stream.indirect_vreg.gather [hbm4b:s3+s2], $0x80, v27, vm0, $0xb8;
	[tilespmem:$0x8200] =	vst v63  }
0x315: {  	v60 =	vperm.xlane v25, v9;
	s0 =	sld [smem:$0x7E7];
	v27 =	vadd.s32 v3, v59  }
0x316: {  	[tilespmem:s9], [sflag:$0x4] =	stream.indirect_vreg.gather [hbm4b:s3+s2], $0x80, v57, vm0, $0xb8;
	[tilespmem:$0x8200] =	vst v63  }
0x317: {  	v62 =	vperm.xlane v25, v10;
	v61 =	vadd.s32 v3, v60;
	s9 =	sld [smem:$0x7E8]  }
0x318: {  	[tilespmem:s0], [sflag:$0x4] =	stream.indirect_vreg.gather [hbm4b:s3+s2], $0x80, v26, vm0, $0xb8;
	[tilespmem:$0x8200] =	vst v63  }
0x319: {  	v63 =	vperm.xlane v25, v11;
	s0 =	sld [smem:$0x7E9];
	v26 =	vadd.s32 v3, v62  }
0x31a: {  	[tilespmem:s9], [sflag:$0x4] =	stream.indirect_vreg.gather [hbm4b:s3+s2], $0x80, v27, vm0, $0xb8;
	[tilespmem:$0x8200] =	vst v63  }
0x31b: {  	v32 =	vperm.xlane v25, v13;
	s9 =	sld [smem:$0x7EA];
	v27 =	vadd.s32 v3, v63  }
0x31c: {  	[tilespmem:s0], [sflag:$0x4] =	stream.indirect_vreg.gather [hbm4b:s3+s2], $0x80, v61, vm0, $0xb8;
	[tilespmem:$0x8200] =	vst v63  }
0x31d: {  	v34 =	vperm.xlane v25, v14;
	v33 =	vadd.s32 v3, v32;
	s0 =	sld [smem:$0x7EB]  }
0x31e: {  	[tilespmem:s9], [sflag:$0x4] =	stream.indirect_vreg.gather [hbm4b:s3+s2], $0x80, v26, vm0, $0xb8;
	[tilespmem:$0x8200] =	vst v63  }
0x31f: {  	v35 =	vperm.xlane v25, v15;
	s9 =	sld [smem:$0x7EC];
	v26 =	vadd.s32 v3, v34  }
0x320: {  	[tilespmem:s0], [sflag:$0x4] =	stream.indirect_vreg.gather [hbm4b:s3+s2], $0x80, v27, vm0, $0xb8;
	[tilespmem:$0x8200] =	vst v63  }
0x321: {  	v36 =	vperm.xlane v25, v16;
	s0 =	sld [smem:$0x7ED];
	v27 =	vadd.s32 v3, v35  }
0x322: {  	[tilespmem:s9], [sflag:$0x4] =	stream.indirect_vreg.gather [hbm4b:s3+s2], $0x80, v33, vm0, $0xb8;
	[tilespmem:$0x8200] =	vst v63  }
0x323: {  	v25 =	vperm.xlane v25, v17;
	v37 =	vadd.s32 v3, v36;
	s9 =	sld [smem:$0x7EE]  }
0x324: {  	[tilespmem:s0], [sflag:$0x4] =	stream.indirect_vreg.gather [hbm4b:s3+s2], $0x80, v26, vm0, $0xb8;
	[tilespmem:$0x8200] =	vst v63  }
0x325: {  	v25 =	vadd.s32 v3, v25;
	s0 =	sld [smem:$0x7EF]  }
0x326: {  	[tilespmem:s9], [sflag:$0x4] =	stream.indirect_vreg.gather [hbm4b:s3+s2], $0x80, v27, vm0, $0xb8;
	[tilespmem:$0x8200] =	vst v63  }
0x327: {  	s9 =	sld [smem:$0x7F0]  }
0x328: {  	[tilespmem:s0], [sflag:$0x4] =	stream.indirect_vreg.gather [hbm4b:s3+s2], $0x80, v37, vm0, $0xb8;
	[tilespmem:$0x8200] =	vst v63  }
0x329: {  	_ = 	snop  }
0x32a: {  	[tilespmem:s9], [sflag:$0x4] =	stream.indirect_vreg.gather [hbm4b:s3+s2], $0x80, v25, vm0, $0xb8;
	[tilespmem:$0x8200] =	vst v63  }
0x32b: {  	v25 =	vld [tilespmem:$0x160];
	_ =	sdelay $0x4  }
0x32c: {  	v26 =	vshll.u32 v25, $0x5  }
0x32d: {  	v25 =	vand.u32 $0x7, v25;
	v26 =	vand.u32 $0xFFFFFF00, v26  }
0x32e: {  	v25 =	vor.u32 v25, v26  }
0x32f: {  	v26 =	vperm.xlane v25, v2;
	_ =	sdelay $0x1  }
0x330: {  	v27 =	vperm.xlane v25, v4;
	v26 =	vadd.s32 v3, v26;
	_ =	sdelay $0x1  }
0x331: {  	s9 =	sld [smem:$0x7F1];
	v38 =	vperm.xlane v25, v5;
	v27 =	vadd.s32 v3, v27;
	_ =	sdelay $0x1  }
0x332: {  	s8 =	sld [smem:$0x7F2];
	v39 =	vperm.xlane v25, v6;
	v28 =	vadd.s32 v3, v38  }
0x333: {  	[tilespmem:s9], [sflag:$0x4] =	stream.indirect_vreg.gather [hbm4b:s3+s2], $0x80, v26, vm0, $0xb8;
	[tilespmem:$0x8200] =	vst v63  }
0x334: {  	v40 =	vperm.xlane v25, v7;
	s9 =	sld [smem:$0x7F3];
	v26 =	vadd.s32 v3, v39  }
0x335: {  	[tilespmem:s8], [sflag:$0x4] =	stream.indirect_vreg.gather [hbm4b:s3+s2], $0x80, v27, vm0, $0xb8;
	[tilespmem:$0x8200] =	vst v63  }
0x336: {  	v41 =	vperm.xlane v25, v1;
	s8 =	sld [smem:$0x7F4];
	v27 =	vadd.s32 v3, v40  }
0x337: {  	[tilespmem:s9], [sflag:$0x4] =	stream.indirect_vreg.gather [hbm4b:s3+s2], $0x80, v28, vm0, $0xb8;
	[tilespmem:$0x8200] =	vst v63  }
0x338: {  	v43 =	vperm.xlane v25, v8;
	v42 =	vadd.s32 v3, v41;
	s9 =	sld [smem:$0x7F5]  }
0x339: {  	[tilespmem:s8], [sflag:$0x4] =	stream.indirect_vreg.gather [hbm4b:s3+s2], $0x80, v26, vm0, $0xb8;
	[tilespmem:$0x8200] =	vst v63  }
0x33a: {  	v44 =	vperm.xlane v25, v0;
	s8 =	sld [smem:$0x7F6];
	v26 =	vadd.s32 v3, v43  }
0x33b: {  	[tilespmem:s9], [sflag:$0x4] =	stream.indirect_vreg.gather [hbm4b:s3+s2], $0x80, v27, vm0, $0xb8;
	[tilespmem:$0x8200] =	vst v63  }
0x33c: {  	v45 =	vperm.xlane v25, v9;
	s9 =	sld [smem:$0x7F7];
	v27 =	vadd.s32 v3, v44  }
0x33d: {  	[tilespmem:s8], [sflag:$0x4] =	stream.indirect_vreg.gather [hbm4b:s3+s2], $0x80, v42, vm0, $0xb8;
	[tilespmem:$0x8200] =	vst v63  }
0x33e: {  	v47 =	vperm.xlane v25, v10;
	v46 =	vadd.s32 v3, v45;
	s8 =	sld [smem:$0x7F8]  }
0x33f: {  	[tilespmem:s9], [sflag:$0x4] =	stream.indirect_vreg.gather [hbm4b:s3+s2], $0x80, v26, vm0, $0xb8;
	[tilespmem:$0x8200] =	vst v63  }
0x340: {  	v48 =	vperm.xlane v25, v11;
	s9 =	sld [smem:$0x7F9];
	v26 =	vadd.s32 v3, v47  }
0x341: {  	[tilespmem:s8], [sflag:$0x4] =	stream.indirect_vreg.gather [hbm4b:s3+s2], $0x80, v27, vm0, $0xb8;
	[tilespmem:$0x8200] =	vst v63  }
0x342: {  	v49 =	vperm.xlane v25, v13;
	s8 =	sld [smem:$0x7FA];
	v27 =	vadd.s32 v3, v48  }
0x343: {  	[tilespmem:s9], [sflag:$0x4] =	stream.indirect_vreg.gather [hbm4b:s3+s2], $0x80, v46, vm0, $0xb8;
	[tilespmem:$0x8200] =	vst v63  }
0x344: {  	v51 =	vperm.xlane v25, v14;
	v50 =	vadd.s32 v3, v49;
	s9 =	sld [smem:$0x7FB]  }
0x345: {  	[tilespmem:s8], [sflag:$0x4] =	stream.indirect_vreg.gather [hbm4b:s3+s2], $0x80, v26, vm0, $0xb8;
	[tilespmem:$0x8200] =	vst v63  }
0x346: {  	v52 =	vperm.xlane v25, v15;
	s8 =	sld [smem:$0x7FC];
	v26 =	vadd.s32 v3, v51  }
0x347: {  	[tilespmem:s9], [sflag:$0x4] =	stream.indirect_vreg.gather [hbm4b:s3+s2], $0x80, v27, vm0, $0xb8;
	[tilespmem:$0x8200] =	vst v63  }
0x348: {  	v53 =	vperm.xlane v25, v16;
	s9 =	sld [smem:$0x7FD];
	v27 =	vadd.s32 v3, v52  }
0x349: {  	[tilespmem:s8], [sflag:$0x4] =	stream.indirect_vreg.gather [hbm4b:s3+s2], $0x80, v50, vm0, $0xb8;
	[tilespmem:$0x8200] =	vst v63  }
0x34a: {  	v25 =	vperm.xlane v25, v17;
	v54 =	vadd.s32 v3, v53  }
0x34b: {  	[tilespmem:s9], [sflag:$0x4] =	stream.indirect_vreg.gather [hbm4b:s3+s2], $0x80, v26, vm0, $0xb8;
	[tilespmem:$0x8200] =	vst v63  }
0x34c: {  	v25 =	vadd.s32 v3, v25;
	s9 =	simm.s32 $0x7800  }
0x34d: {  	[tilespmem:s9], [sflag:$0x4] =	stream.indirect_vreg.gather [hbm4b:s3+s2], $0x80, v27, vm0, $0xb8;
	[tilespmem:$0x8200] =	vst v63  }
0x34e: {  	s8 =	simm.s32 $0x7880  }
0x34f: {  	[tilespmem:s8], [sflag:$0x4] =	stream.indirect_vreg.gather [hbm4b:s3+s2], $0x80, v54, vm0, $0xb8;
	[tilespmem:$0x8200] =	vst v63  }
0x350: {  	_ = 	snop  }
0x351: {  	[tilespmem:s10], [sflag:$0x4] =	stream.indirect_vreg.gather [hbm4b:s3+s2], $0x80, v25, vm0, $0xb8;
	[tilespmem:$0x8200] =	vst v63  }
0x352: {  	v25 =	vld [tilespmem:$0x170];
	_ =	sdelay $0x4  }
0x353: {  	v26 =	vshll.u32 v25, $0x5  }
0x354: {  	v25 =	vand.u32 $0x7, v25;
	v26 =	vand.u32 $0xFFFFFF00, v26  }
0x355: {  	v25 =	vor.u32 v25, v26  }
0x356: {  	v26 =	vperm.xlane v25, v2;
	_ =	sdelay $0x1  }
0x357: {  	v27 =	vperm.xlane v25, v4;
	v26 =	vadd.s32 v3, v26;
	_ =	sdelay $0x1  }
0x358: {  	v55 =	vperm.xlane v25, v5;
	v27 =	vadd.s32 v3, v27;
	_ =	sdelay $0x1  }
0x359: {  	v56 =	vperm.xlane v25, v6;
	v28 =	vadd.s32 v3, v55  }
0x35a: {  	[tilespmem:s14], [sflag:$0x4] =	stream.indirect_vreg.gather [hbm4b:s3+s2], $0x80, v26, vm0, $0xb8;
	[tilespmem:$0x8200] =	vst v63  }
0x35b: {  	v57 =	vperm.xlane v25, v7;
	v26 =	vadd.s32 v3, v56  }
0x35c: {  	[tilespmem:s28], [sflag:$0x4] =	stream.indirect_vreg.gather [hbm4b:s3+s2], $0x80, v27, vm0, $0xb8;
	[tilespmem:$0x8200] =	vst v63  }
0x35d: {  	v58 =	vperm.xlane v25, v1;
	v27 =	vadd.s32 v3, v57  }
0x35e: {  	[tilespmem:s26], [sflag:$0x4] =	stream.indirect_vreg.gather [hbm4b:s3+s2], $0x80, v28, vm0, $0xb8;
	[tilespmem:$0x8200] =	vst v63  }
0x35f: {  	v60 =	vperm.xlane v25, v8;
	v59 =	vadd.s32 v3, v58  }
0x360: {  	[tilespmem:s18], [sflag:$0x4] =	stream.indirect_vreg.gather [hbm4b:s3+s2], $0x80, v26, vm0, $0xb8;
	[tilespmem:$0x8200] =	vst v63  }
0x361: {  	v61 =	vperm.xlane v25, v0;
	v26 =	vadd.s32 v3, v60  }
0x362: {  	[tilespmem:s20], [sflag:$0x4] =	stream.indirect_vreg.gather [hbm4b:s3+s2], $0x80, v27, vm0, $0xb8;
	[tilespmem:$0x8200] =	vst v63  }
0x363: {  	v62 =	vperm.xlane v25, v9;
	v27 =	vadd.s32 v3, v61  }
0x364: {  	[tilespmem:s24], [sflag:$0x4] =	stream.indirect_vreg.gather [hbm4b:s3+s2], $0x80, v59, vm0, $0xb8;
	[tilespmem:$0x8200] =	vst v63  }
0x365: {  	v32 =	vperm.xlane v25, v10;
	v63 =	vadd.s32 v3, v62  }
0x366: {  	[tilespmem:s25], [sflag:$0x4] =	stream.indirect_vreg.gather [hbm4b:s3+s2], $0x80, v26, vm0, $0xb8;
	[tilespmem:$0x8200] =	vst v63  }
0x367: {  	v33 =	vperm.xlane v25, v11;
	v26 =	vadd.s32 v3, v32  }
0x368: {  	[tilespmem:s23], [sflag:$0x4] =	stream.indirect_vreg.gather [hbm4b:s3+s2], $0x80, v27, vm0, $0xb8;
	[tilespmem:$0x8200] =	vst v63  }
0x369: {  	v34 =	vperm.xlane v25, v13;
	v27 =	vadd.s32 v3, v33  }
0x36a: {  	[tilespmem:s22], [sflag:$0x4] =	stream.indirect_vreg.gather [hbm4b:s3+s2], $0x80, v63, vm0, $0xb8;
	[tilespmem:$0x8200] =	vst v63  }
0x36b: {  	v36 =	vperm.xlane v25, v14;
	v35 =	vadd.s32 v3, v34  }
0x36c: {  	[tilespmem:s21], [sflag:$0x4] =	stream.indirect_vreg.gather [hbm4b:s3+s2], $0x80, v26, vm0, $0xb8;
	[tilespmem:$0x8200] =	vst v63  }
0x36d: {  	v37 =	vperm.xlane v25, v15;
	v26 =	vadd.s32 v3, v36  }
0x36e: {  	[tilespmem:s11], [sflag:$0x4] =	stream.indirect_vreg.gather [hbm4b:s3+s2], $0x80, v27, vm0, $0xb8;
	[tilespmem:$0x8200] =	vst v63  }
0x36f: {  	v38 =	vperm.xlane v25, v16;
	v27 =	vadd.s32 v3, v37  }
0x370: {  	[tilespmem:s19], [sflag:$0x4] =	stream.indirect_vreg.gather [hbm4b:s3+s2], $0x80, v35, vm0, $0xb8;
	[tilespmem:$0x8200] =	vst v63  }
0x371: {  	v25 =	vperm.xlane v25, v17;
	v39 =	vadd.s32 v3, v38  }
0x372: {  	[tilespmem:s17], [sflag:$0x4] =	stream.indirect_vreg.gather [hbm4b:s3+s2], $0x80, v26, vm0, $0xb8;
	[tilespmem:$0x8200] =	vst v63  }
0x373: {  	v25 =	vadd.s32 v3, v25  }
0x374: {  	[tilespmem:s16], [sflag:$0x4] =	stream.indirect_vreg.gather [hbm4b:s3+s2], $0x80, v27, vm0, $0xb8;
	[tilespmem:$0x8200] =	vst v63  }
0x375: {  	_ = 	snop  }
0x376: {  	[tilespmem:s15], [sflag:$0x4] =	stream.indirect_vreg.gather [hbm4b:s3+s2], $0x80, v39, vm0, $0xb8;
	[tilespmem:$0x8200] =	vst v63  }
0x377: {  	_ = 	snop  }
0x378: {  	[tilespmem:s12], [sflag:$0x4] =	stream.indirect_vreg.gather [hbm4b:s3+s2], $0x80, v25, vm0, $0xb8;
	[tilespmem:$0x8200] =	vst v63  }
0x379: {  	_ =	swait.ge [sflag:s13], $0x2000  }
0x37a: {  	[sflag:s13] =	ssyncset.done $0x0  }
0x37b: {  	[sflag:s13] =	ssyncadd.s32 $0xFFFFE000  }
0x37c: {  	_ =	swait.ge [sflag:s29], $0x2000  }
0x37d: {  	[sflag:s29] =	ssyncset.done $0x0  }
0x37e: {  	[sflag:s29] =	ssyncadd.s32 $0xFFFFE000  }
0x37f: {  	_ =	swait.ge [sflag:s30], $0x2000  }
0x380: {  	[sflag:s30] =	ssyncset.done $0x0  }
0x381: {  	[sflag:s30] =	ssyncadd.s32 $0xFFFFE000  }
0x382: {  	_ =	swait.ge [sflag:s31], $0x2000  }
0x383: {  	[sflag:s31] =	ssyncset.done $0x0  }
0x384: {  	[sflag:s31] =	ssyncadd.s32 $0xFFFFE000  }
0x385: {  	v25 =	vld.idx.msk [tilespmem:v12+s7+$0x0], $0xffff  }
0x386: {  	v26 =	vld [tilespmem:$0x80]  }
0x387: {  	v27 =	vld [tilespmem:$0x0]  }
0x388: {  	v40 =	vld.idx.msk [tilespmem:v12+s6+$0x0], $0xffff;
	_ =	sdelay $0x1  }
0x389: {  	v25 =	vadd.f32 $9.999999680e-21, v25  }
0x38a: {  	vm1 =	veq.s32 v26, $0x0  }
0x38b: {  	v26 =	vsel vm1, $0x1E3CE508, v25  }
0x38c: {  	vm2 =	vne.s32 v27, $0x0;
	v26 =	vadd.f32 v26, v40  }
0x38d: {  	vm1 =	vmor vm2, vm1  }
0x38e: {  	v25 =	vsel vm1, v26, v25  }
0x38f: {  	v26 =	vand.u32 $0x7FFFFF, v25  }
0x390: {  	v26 =	vor.u32 $0x3F800000, v26  }
0x391: {  	v41 =	vadd.f32 $1.000000000e+00, v26;
	_ =	sdelay $0x1  }
0x392: {  	(erf) = vrcp.f32 v41;
	_ =	sdelay $0x7  }
0x393: {  	v26 =	vadd.f32 $-1.000000000e+00, v26  }
0x394: {  	v28 =	vpop (erf)  }
0x395: {  	v26 =	vmul.f32 v28, v26;
	_ =	sdelay $0x1  }
0x396: {  	v28 =	vmul.f32 v26, v26;
	_ =	sdelay $0x1  }
0x397: {  	v42 =	vmul.f32 $1.111111120e-01, v28;
	_ =	sdelay $0x1  }
0x398: {  	v29 =	vadd.f32 $1.428571490e-01, v42;
	_ =	sdelay $0x1  }
0x399: {  	v29 =	vmul.f32 v29, v28;
	_ =	sdelay $0x1  }
0x39a: {  	v29 =	vadd.f32 $2.000000030e-01, v29;
	_ =	sdelay $0x1  }
0x39b: {  	v29 =	vmul.f32 v29, v28;
	_ =	sdelay $0x1  }
0x39c: {  	v29 =	vadd.f32 $3.333333430e-01, v29;
	_ =	sdelay $0x1  }
0x39d: {  	v25 =	vshra.s32 v25, $0x17;
	v28 =	vmul.f32 v29, v28  }
0x39e: {  	v25 =	vadd.s32 $0xFFFFFF81, v25  }
0x39f: {  	v25 =	vcvt.s32.f32 v25;
	v26 =	vadd.f32 v26, v26;
	v28 =	vadd.f32 $1.000000000e+00, v28;
	_ =	sdelay $0x1  }
0x3a0: {  	v25 =	vmul.f32 $6.931471820e-01, v25;
	v26 =	vmul.f32 v28, v26;
	_ =	sdelay $0x1  }
0x3a1: {  	v25 =	vadd.f32 v26, v25;
	_ =	sdelay $0x1  }
0x3a2: {  	v25 =	vsub.f32 $0.0e+00, v25  }
0x3a3: {  	vm1 =	veq.s32 v27, $0xFFFFFF9C  }
0x3a4: {  	v25 =	vsel vm1, $0x0, v25  }
0x3a5: {  	[tilespmem:$0x8180] =	vst v25  }
0x3a6: {  	v25 =	vld.idx.msk [tilespmem:v18+s7+$0x0], $0xffff  }
0x3a7: {  	v26 =	vld [tilespmem:$0x90]  }
0x3a8: {  	v27 =	vld [tilespmem:$0x10]  }
0x3a9: {  	v43 =	vld.idx.msk [tilespmem:v18+s6+$0x0], $0xffff;
	_ =	sdelay $0x1  }
0x3aa: {  	v25 =	vadd.f32 $9.999999680e-21, v25  }
0x3ab: {  	vm1 =	veq.s32 v26, $0x0  }
0x3ac: {  	v26 =	vsel vm1, $0x1E3CE508, v25  }
0x3ad: {  	vm2 =	vne.s32 v27, $0x0;
	v26 =	vadd.f32 v26, v43  }
0x3ae: {  	vm1 =	vmor vm2, vm1  }
0x3af: {  	v25 =	vsel vm1, v26, v25  }
0x3b0: {  	v26 =	vand.u32 $0x7FFFFF, v25  }
0x3b1: {  	v26 =	vor.u32 $0x3F800000, v26  }
0x3b2: {  	v44 =	vadd.f32 $1.000000000e+00, v26;
	_ =	sdelay $0x1  }
0x3b3: {  	(erf) = vrcp.f32 v44;
	_ =	sdelay $0x7  }
0x3b4: {  	v26 =	vadd.f32 $-1.000000000e+00, v26  }
0x3b5: {  	v28 =	vpop (erf)  }
0x3b6: {  	v26 =	vmul.f32 v28, v26;
	_ =	sdelay $0x1  }
0x3b7: {  	v28 =	vmul.f32 v26, v26;
	_ =	sdelay $0x1  }
0x3b8: {  	v45 =	vmul.f32 $1.111111120e-01, v28;
	_ =	sdelay $0x1  }
0x3b9: {  	v29 =	vadd.f32 $1.428571490e-01, v45;
	_ =	sdelay $0x1  }
0x3ba: {  	v29 =	vmul.f32 v29, v28;
	_ =	sdelay $0x1  }
0x3bb: {  	v29 =	vadd.f32 $2.000000030e-01, v29;
	_ =	sdelay $0x1  }
0x3bc: {  	v29 =	vmul.f32 v29, v28;
	_ =	sdelay $0x1  }
0x3bd: {  	v29 =	vadd.f32 $3.333333430e-01, v29;
	_ =	sdelay $0x1  }
0x3be: {  	v25 =	vshra.s32 v25, $0x17;
	v28 =	vmul.f32 v29, v28  }
0x3bf: {  	v25 =	vadd.s32 $0xFFFFFF81, v25  }
0x3c0: {  	v25 =	vcvt.s32.f32 v25;
	v26 =	vadd.f32 v26, v26;
	v28 =	vadd.f32 $1.000000000e+00, v28;
	_ =	sdelay $0x1  }
0x3c1: {  	v25 =	vmul.f32 $6.931471820e-01, v25;
	v26 =	vmul.f32 v28, v26;
	_ =	sdelay $0x1  }
0x3c2: {  	v25 =	vadd.f32 v26, v25;
	_ =	sdelay $0x1  }
0x3c3: {  	v25 =	vsub.f32 $0.0e+00, v25  }
0x3c4: {  	vm1 =	veq.s32 v27, $0xFFFFFF9C  }
0x3c5: {  	v25 =	vsel vm1, $0x0, v25  }
0x3c6: {  	[tilespmem:$0x8190] =	vst v25  }
0x3c7: {  	v25 =	vld.idx.msk [tilespmem:v19+s7+$0x0], $0xffff  }
0x3c8: {  	v26 =	vld [tilespmem:$0xA0]  }
0x3c9: {  	v27 =	vld [tilespmem:$0x20]  }
0x3ca: {  	v46 =	vld.idx.msk [tilespmem:v19+s6+$0x0], $0xffff;
	_ =	sdelay $0x1  }
0x3cb: {  	v25 =	vadd.f32 $9.999999680e-21, v25  }
0x3cc: {  	vm1 =	veq.s32 v26, $0x0  }
0x3cd: {  	v26 =	vsel vm1, $0x1E3CE508, v25  }
0x3ce: {  	vm2 =	vne.s32 v27, $0x0;
	v26 =	vadd.f32 v26, v46  }
0x3cf: {  	vm1 =	vmor vm2, vm1  }
0x3d0: {  	v25 =	vsel vm1, v26, v25  }
0x3d1: {  	v26 =	vand.u32 $0x7FFFFF, v25  }
0x3d2: {  	v26 =	vor.u32 $0x3F800000, v26  }
0x3d3: {  	v47 =	vadd.f32 $1.000000000e+00, v26;
	_ =	sdelay $0x1  }
0x3d4: {  	(erf) = vrcp.f32 v47;
	_ =	sdelay $0x7  }
0x3d5: {  	v26 =	vadd.f32 $-1.000000000e+00, v26  }
0x3d6: {  	v28 =	vpop (erf)  }
0x3d7: {  	v26 =	vmul.f32 v28, v26;
	_ =	sdelay $0x1  }
0x3d8: {  	v28 =	vmul.f32 v26, v26;
	_ =	sdelay $0x1  }
0x3d9: {  	v48 =	vmul.f32 $1.111111120e-01, v28;
	_ =	sdelay $0x1  }
0x3da: {  	v29 =	vadd.f32 $1.428571490e-01, v48;
	_ =	sdelay $0x1  }
0x3db: {  	v29 =	vmul.f32 v29, v28;
	_ =	sdelay $0x1  }
0x3dc: {  	v29 =	vadd.f32 $2.000000030e-01, v29;
	_ =	sdelay $0x1  }
0x3dd: {  	v29 =	vmul.f32 v29, v28;
	_ =	sdelay $0x1  }
0x3de: {  	v29 =	vadd.f32 $3.333333430e-01, v29;
	_ =	sdelay $0x1  }
0x3df: {  	v25 =	vshra.s32 v25, $0x17;
	v28 =	vmul.f32 v29, v28  }
0x3e0: {  	v25 =	vadd.s32 $0xFFFFFF81, v25  }
0x3e1: {  	v25 =	vcvt.s32.f32 v25;
	v26 =	vadd.f32 v26, v26;
	v28 =	vadd.f32 $1.000000000e+00, v28;
	_ =	sdelay $0x1  }
0x3e2: {  	v25 =	vmul.f32 $6.931471820e-01, v25;
	v26 =	vmul.f32 v28, v26;
	_ =	sdelay $0x1  }
0x3e3: {  	v25 =	vadd.f32 v26, v25;
	_ =	sdelay $0x1  }
0x3e4: {  	v25 =	vsub.f32 $0.0e+00, v25  }
0x3e5: {  	vm1 =	veq.s32 v27, $0xFFFFFF9C  }
0x3e6: {  	v25 =	vsel vm1, $0x0, v25  }
0x3e7: {  	[tilespmem:$0x81A0] =	vst v25  }
0x3e8: {  	v25 =	vld.idx.msk [tilespmem:v20+s7+$0x0], $0xffff  }
0x3e9: {  	v26 =	vld [tilespmem:$0xB0]  }
0x3ea: {  	v27 =	vld [tilespmem:$0x30]  }
0x3eb: {  	v49 =	vld.idx.msk [tilespmem:v20+s6+$0x0], $0xffff;
	_ =	sdelay $0x1  }
0x3ec: {  	v25 =	vadd.f32 $9.999999680e-21, v25  }
0x3ed: {  	vm1 =	veq.s32 v26, $0x0  }
0x3ee: {  	v26 =	vsel vm1, $0x1E3CE508, v25  }
0x3ef: {  	vm2 =	vne.s32 v27, $0x0;
	v26 =	vadd.f32 v26, v49  }
0x3f0: {  	vm1 =	vmor vm2, vm1  }
0x3f1: {  	v25 =	vsel vm1, v26, v25  }
0x3f2: {  	v26 =	vand.u32 $0x7FFFFF, v25  }
0x3f3: {  	v26 =	vor.u32 $0x3F800000, v26  }
0x3f4: {  	v50 =	vadd.f32 $1.000000000e+00, v26;
	_ =	sdelay $0x1  }
0x3f5: {  	(erf) = vrcp.f32 v50;
	_ =	sdelay $0x7  }
0x3f6: {  	v26 =	vadd.f32 $-1.000000000e+00, v26  }
0x3f7: {  	v28 =	vpop (erf)  }
0x3f8: {  	v26 =	vmul.f32 v28, v26;
	_ =	sdelay $0x1  }
0x3f9: {  	v28 =	vmul.f32 v26, v26;
	_ =	sdelay $0x1  }
0x3fa: {  	v51 =	vmul.f32 $1.111111120e-01, v28;
	_ =	sdelay $0x1  }
0x3fb: {  	v29 =	vadd.f32 $1.428571490e-01, v51;
	_ =	sdelay $0x1  }
0x3fc: {  	v29 =	vmul.f32 v29, v28;
	_ =	sdelay $0x1  }
0x3fd: {  	v29 =	vadd.f32 $2.000000030e-01, v29;
	_ =	sdelay $0x1  }
0x3fe: {  	v29 =	vmul.f32 v29, v28;
	_ =	sdelay $0x1  }
0x3ff: {  	v29 =	vadd.f32 $3.333333430e-01, v29;
	_ =	sdelay $0x1  }
0x400: {  	v25 =	vshra.s32 v25, $0x17;
	v28 =	vmul.f32 v29, v28  }
0x401: {  	v25 =	vadd.s32 $0xFFFFFF81, v25  }
0x402: {  	v25 =	vcvt.s32.f32 v25;
	v26 =	vadd.f32 v26, v26;
	v28 =	vadd.f32 $1.000000000e+00, v28;
	_ =	sdelay $0x1  }
0x403: {  	v25 =	vmul.f32 $6.931471820e-01, v25;
	v26 =	vmul.f32 v28, v26;
	_ =	sdelay $0x1  }
0x404: {  	v25 =	vadd.f32 v26, v25;
	_ =	sdelay $0x1  }
0x405: {  	v25 =	vsub.f32 $0.0e+00, v25  }
0x406: {  	vm1 =	veq.s32 v27, $0xFFFFFF9C  }
0x407: {  	v25 =	vsel vm1, $0x0, v25  }
0x408: {  	[tilespmem:$0x81B0] =	vst v25  }
0x409: {  	v25 =	vld.idx.msk [tilespmem:v21+s7+$0x0], $0xffff  }
0x40a: {  	v26 =	vld [tilespmem:$0xC0]  }
0x40b: {  	v27 =	vld [tilespmem:$0x40]  }
0x40c: {  	v52 =	vld.idx.msk [tilespmem:v21+s6+$0x0], $0xffff;
	_ =	sdelay $0x1  }
0x40d: {  	v25 =	vadd.f32 $9.999999680e-21, v25  }
0x40e: {  	vm1 =	veq.s32 v26, $0x0  }
0x40f: {  	v26 =	vsel vm1, $0x1E3CE508, v25  }
0x410: {  	vm2 =	vne.s32 v27, $0x0;
	v26 =	vadd.f32 v26, v52  }
0x411: {  	vm1 =	vmor vm2, vm1  }
0x412: {  	v25 =	vsel vm1, v26, v25  }
0x413: {  	v26 =	vand.u32 $0x7FFFFF, v25  }
0x414: {  	v26 =	vor.u32 $0x3F800000, v26  }
0x415: {  	v53 =	vadd.f32 $1.000000000e+00, v26;
	_ =	sdelay $0x1  }
0x416: {  	(erf) = vrcp.f32 v53;
	_ =	sdelay $0x7  }
0x417: {  	v26 =	vadd.f32 $-1.000000000e+00, v26  }
0x418: {  	v28 =	vpop (erf)  }
0x419: {  	v26 =	vmul.f32 v28, v26;
	_ =	sdelay $0x1  }
0x41a: {  	v28 =	vmul.f32 v26, v26;
	_ =	sdelay $0x1  }
0x41b: {  	v54 =	vmul.f32 $1.111111120e-01, v28;
	_ =	sdelay $0x1  }
0x41c: {  	v29 =	vadd.f32 $1.428571490e-01, v54;
	_ =	sdelay $0x1  }
0x41d: {  	v29 =	vmul.f32 v29, v28;
	_ =	sdelay $0x1  }
0x41e: {  	v29 =	vadd.f32 $2.000000030e-01, v29;
	_ =	sdelay $0x1  }
0x41f: {  	v29 =	vmul.f32 v29, v28;
	_ =	sdelay $0x1  }
0x420: {  	v29 =	vadd.f32 $3.333333430e-01, v29;
	_ =	sdelay $0x1  }
0x421: {  	v25 =	vshra.s32 v25, $0x17;
	v28 =	vmul.f32 v29, v28  }
0x422: {  	v25 =	vadd.s32 $0xFFFFFF81, v25  }
0x423: {  	v25 =	vcvt.s32.f32 v25;
	v26 =	vadd.f32 v26, v26;
	v28 =	vadd.f32 $1.000000000e+00, v28;
	_ =	sdelay $0x1  }
0x424: {  	v25 =	vmul.f32 $6.931471820e-01, v25;
	v26 =	vmul.f32 v28, v26;
	_ =	sdelay $0x1  }
0x425: {  	v25 =	vadd.f32 v26, v25;
	_ =	sdelay $0x1  }
0x426: {  	v25 =	vsub.f32 $0.0e+00, v25  }
0x427: {  	vm1 =	veq.s32 v27, $0xFFFFFF9C  }
0x428: {  	v25 =	vsel vm1, $0x0, v25  }
0x429: {  	[tilespmem:$0x81C0] =	vst v25  }
0x42a: {  	v25 =	vld.idx.msk [tilespmem:v22+s7+$0x0], $0xffff  }
0x42b: {  	v26 =	vld [tilespmem:$0xD0]  }
0x42c: {  	v27 =	vld [tilespmem:$0x50]  }
0x42d: {  	v55 =	vld.idx.msk [tilespmem:v22+s6+$0x0], $0xffff;
	_ =	sdelay $0x1  }
0x42e: {  	v25 =	vadd.f32 $9.999999680e-21, v25  }
0x42f: {  	vm1 =	veq.s32 v26, $0x0  }
0x430: {  	v26 =	vsel vm1, $0x1E3CE508, v25  }
0x431: {  	vm2 =	vne.s32 v27, $0x0;
	v26 =	vadd.f32 v26, v55  }
0x432: {  	vm1 =	vmor vm2, vm1  }
0x433: {  	v25 =	vsel vm1, v26, v25  }
0x434: {  	v26 =	vand.u32 $0x7FFFFF, v25  }
0x435: {  	v26 =	vor.u32 $0x3F800000, v26  }
0x436: {  	v56 =	vadd.f32 $1.000000000e+00, v26;
	_ =	sdelay $0x1  }
0x437: {  	(erf) = vrcp.f32 v56;
	_ =	sdelay $0x7  }
0x438: {  	v26 =	vadd.f32 $-1.000000000e+00, v26  }
0x439: {  	v28 =	vpop (erf)  }
0x43a: {  	v26 =	vmul.f32 v28, v26;
	_ =	sdelay $0x1  }
0x43b: {  	v28 =	vmul.f32 v26, v26;
	_ =	sdelay $0x1  }
0x43c: {  	v57 =	vmul.f32 $1.111111120e-01, v28;
	_ =	sdelay $0x1  }
0x43d: {  	v29 =	vadd.f32 $1.428571490e-01, v57;
	_ =	sdelay $0x1  }
0x43e: {  	v29 =	vmul.f32 v29, v28;
	_ =	sdelay $0x1  }
0x43f: {  	v29 =	vadd.f32 $2.000000030e-01, v29;
	_ =	sdelay $0x1  }
0x440: {  	v29 =	vmul.f32 v29, v28;
	_ =	sdelay $0x1  }
0x441: {  	v29 =	vadd.f32 $3.333333430e-01, v29;
	_ =	sdelay $0x1  }
0x442: {  	v25 =	vshra.s32 v25, $0x17;
	v28 =	vmul.f32 v29, v28  }
0x443: {  	v25 =	vadd.s32 $0xFFFFFF81, v25  }
0x444: {  	v25 =	vcvt.s32.f32 v25;
	v26 =	vadd.f32 v26, v26;
	v28 =	vadd.f32 $1.000000000e+00, v28;
	_ =	sdelay $0x1  }
0x445: {  	v25 =	vmul.f32 $6.931471820e-01, v25;
	v26 =	vmul.f32 v28, v26;
	_ =	sdelay $0x1  }
0x446: {  	v25 =	vadd.f32 v26, v25;
	_ =	sdelay $0x1  }
0x447: {  	v25 =	vsub.f32 $0.0e+00, v25  }
0x448: {  	vm1 =	veq.s32 v27, $0xFFFFFF9C  }
0x449: {  	v25 =	vsel vm1, $0x0, v25  }
0x44a: {  	[tilespmem:$0x81D0] =	vst v25  }
0x44b: {  	v25 =	vld.idx.msk [tilespmem:v23+s7+$0x0], $0xffff  }
0x44c: {  	v26 =	vld [tilespmem:$0xE0]  }
0x44d: {  	v27 =	vld [tilespmem:$0x60]  }
0x44e: {  	v58 =	vld.idx.msk [tilespmem:v23+s6+$0x0], $0xffff;
	_ =	sdelay $0x1  }
0x44f: {  	v25 =	vadd.f32 $9.999999680e-21, v25  }
0x450: {  	vm1 =	veq.s32 v26, $0x0  }
0x451: {  	v26 =	vsel vm1, $0x1E3CE508, v25  }
0x452: {  	vm2 =	vne.s32 v27, $0x0;
	v26 =	vadd.f32 v26, v58  }
0x453: {  	vm1 =	vmor vm2, vm1  }
0x454: {  	v25 =	vsel vm1, v26, v25  }
0x455: {  	v26 =	vand.u32 $0x7FFFFF, v25  }
0x456: {  	v26 =	vor.u32 $0x3F800000, v26  }
0x457: {  	v59 =	vadd.f32 $1.000000000e+00, v26;
	_ =	sdelay $0x1  }
0x458: {  	(erf) = vrcp.f32 v59;
	_ =	sdelay $0x7  }
0x459: {  	v26 =	vadd.f32 $-1.000000000e+00, v26  }
0x45a: {  	v28 =	vpop (erf)  }
0x45b: {  	v26 =	vmul.f32 v28, v26;
	_ =	sdelay $0x1  }
0x45c: {  	v28 =	vmul.f32 v26, v26;
	_ =	sdelay $0x1  }
0x45d: {  	v60 =	vmul.f32 $1.111111120e-01, v28;
	_ =	sdelay $0x1  }
0x45e: {  	v29 =	vadd.f32 $1.428571490e-01, v60;
	_ =	sdelay $0x1  }
0x45f: {  	v29 =	vmul.f32 v29, v28;
	_ =	sdelay $0x1  }
0x460: {  	v29 =	vadd.f32 $2.000000030e-01, v29;
	_ =	sdelay $0x1  }
0x461: {  	v29 =	vmul.f32 v29, v28;
	_ =	sdelay $0x1  }
0x462: {  	v29 =	vadd.f32 $3.333333430e-01, v29;
	_ =	sdelay $0x1  }
0x463: {  	v25 =	vshra.s32 v25, $0x17;
	v28 =	vmul.f32 v29, v28  }
0x464: {  	v25 =	vadd.s32 $0xFFFFFF81, v25  }
0x465: {  	v25 =	vcvt.s32.f32 v25;
	v26 =	vadd.f32 v26, v26;
	v28 =	vadd.f32 $1.000000000e+00, v28;
	_ =	sdelay $0x1  }
0x466: {  	v25 =	vmul.f32 $6.931471820e-01, v25;
	v26 =	vmul.f32 v28, v26;
	_ =	sdelay $0x1  }
0x467: {  	v25 =	vadd.f32 v26, v25;
	_ =	sdelay $0x1  }
0x468: {  	v25 =	vsub.f32 $0.0e+00, v25  }
0x469: {  	vm1 =	veq.s32 v27, $0xFFFFFF9C  }
0x46a: {  	v25 =	vsel vm1, $0x0, v25  }
0x46b: {  	[tilespmem:$0x81E0] =	vst v25  }
0x46c: {  	v25 =	vld.idx.msk [tilespmem:v24+s7+$0x0], $0xffff  }
0x46d: {  	v26 =	vld [tilespmem:$0xF0]  }
0x46e: {  	v27 =	vld [tilespmem:$0x70]  }
0x46f: {  	v61 =	vld.idx.msk [tilespmem:v24+s6+$0x0], $0xffff;
	_ =	sdelay $0x1  }
0x470: {  	v25 =	vadd.f32 $9.999999680e-21, v25  }
0x471: {  	vm1 =	veq.s32 v26, $0x0  }
0x472: {  	v26 =	vsel vm1, $0x1E3CE508, v25  }
0x473: {  	vm2 =	vne.s32 v27, $0x0;
	v26 =	vadd.f32 v26, v61  }
0x474: {  	vm1 =	vmor vm2, vm1  }
0x475: {  	v25 =	vsel vm1, v26, v25  }
0x476: {  	v26 =	vand.u32 $0x7FFFFF, v25  }
0x477: {  	v26 =	vor.u32 $0x3F800000, v26  }
0x478: {  	v62 =	vadd.f32 $1.000000000e+00, v26;
	_ =	sdelay $0x1  }
0x479: {  	(erf) = vrcp.f32 v62;
	_ =	sdelay $0x7  }
0x47a: {  	v26 =	vadd.f32 $-1.000000000e+00, v26  }
0x47b: {  	v28 =	vpop (erf)  }
0x47c: {  	v26 =	vmul.f32 v28, v26;
	_ =	sdelay $0x1  }
0x47d: {  	v28 =	vmul.f32 v26, v26;
	_ =	sdelay $0x1  }
0x47e: {  	v63 =	vmul.f32 $1.111111120e-01, v28;
	_ =	sdelay $0x1  }
0x47f: {  	v29 =	vadd.f32 $1.428571490e-01, v63;
	_ =	sdelay $0x1  }
0x480: {  	v29 =	vmul.f32 v29, v28;
	_ =	sdelay $0x1  }
0x481: {  	v29 =	vadd.f32 $2.000000030e-01, v29;
	_ =	sdelay $0x1  }
0x482: {  	v29 =	vmul.f32 v29, v28;
	_ =	sdelay $0x1  }
0x483: {  	v29 =	vadd.f32 $3.333333430e-01, v29;
	_ =	sdelay $0x1  }
0x484: {  	v25 =	vshra.s32 v25, $0x17;
	v28 =	vmul.f32 v29, v28  }
0x485: {  	v25 =	vadd.s32 $0xFFFFFF81, v25  }
0x486: {  	v25 =	vcvt.s32.f32 v25;
	v26 =	vadd.f32 v26, v26;
	v28 =	vadd.f32 $1.000000000e+00, v28;
	_ =	sdelay $0x1  }
0x487: {  	v25 =	vmul.f32 $6.931471820e-01, v25;
	v26 =	vmul.f32 v28, v26;
	_ =	sdelay $0x1  }
0x488: {  	v25 =	vadd.f32 v26, v25;
	_ =	sdelay $0x1  }
0x489: {  	v25 =	vsub.f32 $0.0e+00, v25  }
0x48a: {  	vm1 =	veq.s32 v27, $0xFFFFFF9C  }
0x48b: {  	p0 =	sne.s32 s4, $0x1;
	v25 =	vsel vm1, $0x0, v25  }
.Ltmp0:
0x48c: {  	s9 =	rddreg [dreg:$0x7];
	[tilespmem:$0x81F0] =	vst v25;
	(pc) =	sbr.rel @p0 .LBB2_1-.Ltmp0, $4  }
0x48d: {  	[hbm4b:s9+s2] =	stream.linear.scatter [tilespmem:s1], [sflag:$0x5], $0x80, $0x38;
	[tilespmem:$0x8200] =	vst v63  }
0x48e: {  	_ =	swait.ge [sflag:s5], $0x80  }
0x48f: {  	[sflag:s5] =	ssyncset.done $0x0  }
0x490: {  	s4 =	sadd.s32 $0xFFFFFFFF, s4;
	[sflag:s5] =	ssyncadd.s32 $0xFFFFFF80  }
0x491: {  	_ =	sfence.sel $0x180000  }
0x492: {  	[bflag:$0x0] =	sbarrier.arrive $0xFFFF  }
0x493: {  	_ =	strace $0x90000047  }
0x494: {  	s0 =	stileid.u32;
	[bflag:$0x2] =	sbarrier.arrive $0xFFFF  }
0x495: {  	p0 =	sne.s32 s0, $0x0;
	s0 =	rddreg [dreg:$0x4]  }
0x496: {  	s0 =	sadd.s32 @!p0 $0x100000, s0  }
0x497: {  	[sflag:s0] =	ssyncadd.tile.s32 @!p0 $0x1;
	_ =	shalt  }
.Lfunc_end2:
_tile_overlayer_lowered:
.L_overlay_start_2:
0x498: {  	(tag) =	ssettag $0x2  }
0x499: {  	s0 =	rddreg [dreg:$0x0];
	s2 =	stileid.u32  }
0x49a: {  	s1 =	rddreg [dreg:$0x1];
	p0 =	sne.s32 s2, $0x0  }
0x49b: {  	s3 =	rddreg [dreg:$0x2];
	[bflag:$0x3] =	sbarrier.arrive $0xFFFF;
	s2 =	simm.s32 @!p0 $0x1C05  }
0x49c: {  	[timem:s3], [sflag:s2] =	dma.local @!p0 [hbm:s0], s1  }
0x49d: {  	s0 =	simm.s32 @!p0 $0x5  }
0x49e: {  	_ =	swait.ge @!p0 [sflag:s0], s1  }
0x49f: {  	s1 =	ssub.s32 @!p0 $0x0, s1;
	[sflag:s0] =	ssyncset.done @!p0 $0x0  }
0x4a0: {  	[sflag:s0] =	ssyncadd.s32 @!p0 s1  }
0x4a1: {  	[bflag:$0x3] =	sbarrier.arrive $0xFFFF  }
0x4a2: {  	_ =	shalt  }

</sc_bundles>
